<compile_context>
chip_gen: v7x
topology: tpu7x:2x2x1
jax: 0.10.2.dev20260603
libtpu: 0.0.44.dev20260713+nightly
codegen_flags: <defaults>
</compile_context>

<pallas_src>
import dataclasses
import functools

import jax
import jax.numpy as jnp
from jax import lax
from jax.experimental import pallas as pl
from jax.experimental.pallas import tpu as pltpu
from jax.experimental.pallas import tpu_sc as plsc

_STRIDE = 32
_TOPK = 4
_L = 16
_NTILE = 32


_CH = 16


def _sc_gather(hs2, r0, n_rows, D):
    per_tile = n_rows // _NTILE
    n_chunk = per_tile // _CH

    mesh = plsc.VectorSubcoreMesh(core_axis_name="c", subcore_axis_name="s")
    cp = pltpu.CompilerParams()
    if "needs_layout_passes" in pltpu.CompilerParams.__dataclass_fields__:
        cp = dataclasses.replace(cp, needs_layout_passes=False)

    @functools.partial(
        pl.kernel,
        mesh=mesh,
        compiler_params=cp,
        out_type=jax.ShapeDtypeStruct((n_rows, D), jnp.float32),
        scratch_types=[
            pltpu.VMEM((_CH,), jnp.int32),
            pltpu.VMEM((_CH,), jnp.int32),
            pltpu.VMEM((_CH, D), jnp.float32),
            pltpu.VMEM((_CH, D), jnp.float32),
            pltpu.SemaphoreType.DMA,
            pltpu.SemaphoreType.DMA,
            pltpu.SemaphoreType.DMA,
            pltpu.SemaphoreType.DMA,
        ],
    )
    def gather_kernel(hs_hbm, out_hbm, idx_a, idx_b, buf_a, buf_b,
                      sg0, sg1, sw0, sw1):
        c = lax.axis_index("c")
        s = lax.axis_index("s")
        w = c * 16 + s
        iota = lax.broadcasted_iota(jnp.int32, (_L,), 0)
        idx = [idx_a, idx_b]
        buf = [buf_a, buf_b]
        sg = [sg0, sg1]
        sw = [sw0, sw1]

        def mkidx(ch, ib):
            f0 = r0 + w * per_tile + ch * _CH
            ib[pl.ds(0, _L)] = (f0 + iota) * _STRIDE

        gathers = [None] * n_chunk
        writes = [None] * n_chunk
        mkidx(0, idx[0])
        gathers[0] = pltpu.async_copy(hs_hbm.at[idx[0]], buf[0], sg[0])
        for ch in range(n_chunk):
            p = ch % 2
            if ch + 1 < n_chunk:
                mkidx(ch + 1, idx[1 - p])
                if ch >= 1:
                    writes[ch - 1].wait()
                gathers[ch + 1] = pltpu.async_copy(
                    hs_hbm.at[idx[1 - p]], buf[1 - p], sg[1 - p])
            gathers[ch].wait()
            f0 = w * per_tile + ch * _CH
            writes[ch] = pltpu.async_copy(
                buf[p], out_hbm.at[pl.ds(f0, _CH)], sw[p])
        for ch in range(max(0, n_chunk - 2), n_chunk):
            writes[ch].wait()

    return gather_kernel(hs2)


def _tc_body(x_ref, m_ref, q_ref, out_ref, idx_ref):
    BB, M, D = x_ref.shape
    x_all = x_ref[...]
    q_all = q_ref[...]
    mrow = m_ref[:, 0, :]

    qn = jnp.sqrt(jnp.sum(q_all * q_all, axis=2, keepdims=True))
    nq = q_all / jnp.maximum(qn, 1e-12)
    n2 = jnp.sum(x_all * x_all, axis=2, keepdims=True)
    nm = x_all / jnp.maximum(jnp.sqrt(n2), 1e-12)
    nm_bf = nm.astype(jnp.bfloat16)
    nq_bf = nq.astype(jnp.bfloat16)
    rows = []
    for bb in range(BB):
        nq8 = jnp.broadcast_to(nq_bf[bb], (8, D))
        s8 = jax.lax.dot_general(
            nq8, nm_bf[bb], (((1,), (1,)), ((), ())),
            preferred_element_type=jnp.float32)
        rows.append(s8[0:1, :])
    neg = jnp.float32(-jnp.inf)
    s = jnp.where(mrow > 0, jnp.concatenate(rows, axis=0), neg)

    lidx = jax.lax.broadcasted_iota(jnp.int32, (BB, M), 1)

    cur = s
    top_i = []
    top_v = []
    for _ in range(_TOPK):
        bv = jnp.max(cur, axis=1, keepdims=True)
        bi = jnp.min(jnp.where(cur == bv, lidx, M), axis=1, keepdims=True)
        top_v.append(bv)
        top_i.append(bi)
        cur = jnp.where(lidx == bi, neg, cur)

    sel = (lidx == top_i[0]) | (lidx == top_i[1]) | (lidx == top_i[2]) | (
        lidx == top_i[3])
    e = jnp.where(sel, jnp.exp(s - top_v[0]), 0.0)
    esum = jnp.sum(e, axis=1, keepdims=True)
    w = [jnp.sum(jnp.where(lidx == top_i[t], e, 0.0), axis=1, keepdims=True)
         / esum for t in range(_TOPK)]

    sidxc = jax.lax.broadcasted_iota(jnp.int32, (M, 1), 0)
    lane = jax.lax.broadcasted_iota(jnp.int32, (8, 128), 1)
    for bb in range(BB):
        wcol = jnp.where(sidxc == top_i[0][bb:bb + 1], w[0][bb:bb + 1], 0.0)
        for t in range(1, _TOPK):
            wcol = wcol + jnp.where(sidxc == top_i[t][bb:bb + 1],
                                    w[t][bb:bb + 1], 0.0)
        out_ref[bb, 0, :] = jnp.sum(x_all[bb] * wcol, axis=0)

        row = jnp.where(
            lane == 0, jnp.broadcast_to(top_i[0][bb:bb + 1], (8, 128)),
            jnp.where(
                lane == 1, jnp.broadcast_to(top_i[1][bb:bb + 1], (8, 128)),
                jnp.where(
                    lane == 2, jnp.broadcast_to(top_i[2][bb:bb + 1], (8, 128)),
                    jnp.where(lane == 3,
                              jnp.broadcast_to(top_i[3][bb:bb + 1], (8, 128)),
                              0))))
        idx_ref[bb] = row


def _tc_call(compact, mask3, q3):
    nb, M, D = compact.shape
    BB = 4
    return pl.pallas_call(
        _tc_body,
        grid=(nb // BB,),
        in_specs=[
            pl.BlockSpec((BB, M, D), lambda b: (b, 0, 0)),
            pl.BlockSpec((BB, _STRIDE, M), lambda b: (b, 0, 0)),
            pl.BlockSpec((BB, 1, D), lambda b: (b, 0, 0)),
        ],
        out_specs=[
            pl.BlockSpec((BB, 1, D), lambda b: (b, 0, 0)),
            pl.BlockSpec((BB, 8, 128), lambda b: (b, 0, 0)),
        ],
        out_shape=[
            jax.ShapeDtypeStruct((nb, 1, D), jnp.float32),
            jax.ShapeDtypeStruct((nb, 8, 128), jnp.int32),
        ],
    )(compact, mask3, q3)


def kernel(hidden_states, attention_mask, query):
    B, S, D = hidden_states.shape
    M = S // _STRIDE

    hs2 = hidden_states.reshape(B * S, D)
    mask3 = attention_mask.reshape(B, M, _STRIDE).astype(
        jnp.float32).transpose(0, 2, 1)
    q3 = query.reshape(B, 1, D)

    NG = 2
    G = B // NG
    rets = []
    idxs = []
    for g in range(NG):
        compact = _sc_gather(hs2, g * G * M, G * M, D).reshape(G, M, D)
        r, i = _tc_call(compact, mask3[g * G:(g + 1) * G],
                        q3[g * G:(g + 1) * G])
        rets.append(r)
        idxs.append(i)

    retrieved = jnp.concatenate(rets, axis=0).reshape(B, D)
    idx_pad = jnp.concatenate(idxs, axis=0)
    return retrieved, idx_pad[:, 0, :_TOPK]

# --- scband reference (transcript-rebuilt; emitter-appended) ---
"""Pipeline reference for scband-hidden-state-memory-19911468384424 (READ-ONLY COPY).

The authoritative reference and input builder live on the scoring server;
editing this copy changes nothing except your own understanding.
"""

import jax, jax.numpy as jnp
import numpy as np

STRIDE = 32
TOP_K = 4


def setup_inputs(seed: int = 0) -> dict:
    key = jax.random.key(seed)
    k1, k2 = jax.random.split(key)
    hidden_states = jax.random.normal(k1, (16, 8192, 1024), dtype=jnp.float32)
    attention_mask = jnp.ones((16, 8192), dtype=bool)
    query = jax.random.normal(k2, (16, 1024), dtype=jnp.float32)
    return {"hidden_states": hidden_states, "attention_mask": attention_mask, "query": query}


def _normalize(x, axis=-1, eps=1e-12):
    n = jnp.linalg.norm(x, ord=2, axis=axis, keepdims=True)
    return x / jnp.maximum(n, eps)


def reference(hidden_states, attention_mask, query):
    batch_size, seq_len, hidden_dim = hidden_states.shape
    memory_states = hidden_states[:, ::STRIDE, :]
    memory_mask = attention_mask[:, ::STRIDE]
    normalized_query = _normalize(query, axis=-1)
    normalized_memory = _normalize(memory_states, axis=-1)
    scores = jnp.einsum('bd,bmd->bm', normalized_query, normalized_memory)
    scores = jnp.where(memory_mask, scores, -jnp.inf)
    top_k = min(TOP_K, memory_states.shape[1])
    top_scores, top_indices = jax.lax.top_k(scores, top_k)
    gathered_memory = jnp.take_along_axis(memory_states, top_indices[:, :, None], axis=1)
    weights = jax.nn.softmax(top_scores, axis=-1)
    retrieved = jnp.sum(gathered_memory * weights[:, :, None], axis=1)
    return (retrieved, top_indices)

if __name__ == "__main__":
    import jax
    _d = setup_inputs()
    print(jax.jit(kernel)(*tuple(_d.values())))

</pallas_src>

<mosaic_0001>
#map = affine_map<(d0, d1) -> (0, 0)>
module attributes {stable_mosaic.version = 14 : i64} {
  func.func @gather_kernel(%arg0: i32, %arg1: i32, %arg2: memref<131072x1024xf32, #tpu.memory_space<hbm>>, %arg3: memref<2048x1024xf32, #tpu.memory_space<hbm>>, %arg4: memref<16xi32, #tpu.memory_space<vmem>>, %arg5: memref<16xi32, #tpu.memory_space<vmem>>, %arg6: memref<16x1024xf32, #tpu.memory_space<vmem>>, %arg7: memref<16x1024xf32, #tpu.memory_space<vmem>>, %arg8: memref<!tpu.dma_semaphore, #tpu.memory_space<semaphore_mem>>, %arg9: memref<!tpu.dma_semaphore, #tpu.memory_space<semaphore_mem>>, %arg10: memref<!tpu.dma_semaphore, #tpu.memory_space<semaphore_mem>>, %arg11: memref<!tpu.dma_semaphore, #tpu.memory_space<semaphore_mem>>) attributes {dimension_semantics = [#tpu.dimension_semantics<core_parallel>, #tpu.dimension_semantics<subcore_parallel>], iteration_bounds = array<i64: 2, 16>, scalar_prefetch = 0 : i64, scratch_operands = 8 : i64, tpu.core_type = #tpu.core_type<sc_vector_subcore>, window_params = [{transform_indices = #map}, {transform_indices = #map}]} {
    %mul3A = arith.constant 16 : i32
    %mul3A_0 = arith.muli %arg0, %mul3A : i32
    %add3A = arith.addi %mul3A_0, %arg1 : i32
    %iota3A = tpu.iota {dimensions = array<i32: 0>} : vector<16xi32>
    %mul3A_1 = arith.constant 64 : i32
    %mul3A_2 = arith.muli %add3A, %mul3A_1 : i32
    %add3A_3 = arith.constant 2048 : i32
    %add3A_4 = arith.addi %add3A_3, %mul3A_2 : i32
    %add3A_5 = arith.constant 0 : i32
    %add3A_6 = arith.addi %add3A_4, %add3A_5 : i32
    %add3A_7 = vector.broadcast %add3A_6 : i32 to vector<16xi32>
    %add3A_8 = arith.addi %add3A_7, %iota3A : vector<16xi32>
    %mul3A_9 = arith.constant 32 : i32
    %mul3A_10 = vector.broadcast %mul3A_9 : i32 to vector<16xi32>
    %mul3A_11 = arith.muli %add3A_8, %mul3A_10 : vector<16xi32>
    %swap3A = arith.constant 0 : index
    %swap3A_12 = tpu.vector_load %arg4[%swap3A] {strides = array<i32>} : memref<16xi32, #tpu.memory_space<vmem>>, vector<16xi32>,
    tpu.vector_store %arg4[%swap3A], %mul3A_11 {strides = array<i32>} : memref<16xi32, #tpu.memory_space<vmem>>, vector<16xi32>,
    %dma_start3A = arith.constant 0 : i32
    %dma_start3A_13 = arith.constant 0 : i32
    %dma_start3A_14 = tpu.memref_slice %arg2[%dma_start3A, %dma_start3A_13] : memref<131072x1024xf32, #tpu.memory_space<hbm>> -> memref<131072x1024xf32, #tpu.memory_space<hbm>>
    tpu.enqueue_indirect_dma source(%dma_start3A_14 : memref<131072x1024xf32, #tpu.memory_space<hbm>>) target(%arg6 : memref<16x1024xf32, #tpu.memory_space<vmem>>) offsets(%arg4 : memref<16xi32, #tpu.memory_space<vmem>>) semaphore(%arg8 : memref<!tpu.dma_semaphore, #tpu.memory_space<semaphore_mem>>)
    %mul3A_15 = arith.constant 64 : i32
    %mul3A_16 = arith.muli %add3A, %mul3A_15 : i32
    %add3A_17 = arith.constant 2048 : i32
    %add3A_18 = arith.addi %add3A_17, %mul3A_16 : i32
    %add3A_19 = arith.constant 16 : i32
    %add3A_20 = arith.addi %add3A_18, %add3A_19 : i32
    %add3A_21 = vector.broadcast %add3A_20 : i32 to vector<16xi32>
    %add3A_22 = arith.addi %add3A_21, %iota3A : vector<16xi32>
    %mul3A_23 = arith.constant 32 : i32
    %mul3A_24 = vector.broadcast %mul3A_23 : i32 to vector<16xi32>
    %mul3A_25 = arith.muli %add3A_22, %mul3A_24 : vector<16xi32>
    %swap3A_26 = arith.constant 0 : index
    %swap3A_27 = tpu.vector_load %arg5[%swap3A_26] {strides = array<i32>} : memref<16xi32, #tpu.memory_space<vmem>>, vector<16xi32>,
    tpu.vector_store %arg5[%swap3A_26], %mul3A_25 {strides = array<i32>} : memref<16xi32, #tpu.memory_space<vmem>>, vector<16xi32>,
    %dma_start3A_28 = arith.constant 0 : i32
    %dma_start3A_29 = arith.constant 0 : i32
    %dma_start3A_30 = tpu.memref_slice %arg2[%dma_start3A_28, %dma_start3A_29] : memref<131072x1024xf32, #tpu.memory_space<hbm>> -> memref<131072x1024xf32, #tpu.memory_space<hbm>>
    tpu.enqueue_indirect_dma source(%dma_start3A_30 : memref<131072x1024xf32, #tpu.memory_space<hbm>>) target(%arg7 : memref<16x1024xf32, #tpu.memory_space<vmem>>) offsets(%arg5 : memref<16xi32, #tpu.memory_space<vmem>>) semaphore(%arg9 : memref<!tpu.dma_semaphore, #tpu.memory_space<semaphore_mem>>)
    %dma_wait3A = arith.constant 0 : i32
    %dma_wait3A_31 = arith.constant 0 : i32
    %dma_wait3A_32 = tpu.memref_slice %arg2[%dma_wait3A, %dma_wait3A_31] : memref<131072x1024xf32, #tpu.memory_space<hbm>> -> memref<131072x1024xf32, #tpu.memory_space<hbm>>
    tpu.wait_indirect_dma semaphore(%arg8 : memref<!tpu.dma_semaphore, #tpu.memory_space<semaphore_mem>>) src(%dma_wait3A_32 : memref<131072x1024xf32, #tpu.memory_space<hbm>>) dst(%arg6 : memref<16x1024xf32, #tpu.memory_space<vmem>>)
    %mul3A_33 = arith.constant 64 : i32
    %mul3A_34 = arith.muli %add3A, %mul3A_33 : i32
    %add3A_35 = arith.constant 0 : i32
    %add3A_36 = arith.addi %mul3A_34, %add3A_35 : i32
    %dma_start3A_37 = arith.constant 0 : i32
    %dma_start3A_38 = tpu.memref_slice %arg3[%add3A_36, %dma_start3A_37] : memref<2048x1024xf32, #tpu.memory_space<hbm>> -> memref<16x1024xf32, #tpu.memory_space<hbm>>
    %dma_start3A_39 = arith.constant 0 : i32
    %dma_start3A_40 = tpu.memref_slice %arg3[%add3A_36, %dma_start3A_39] : memref<2048x1024xf32, #tpu.memory_space<hbm>> -> memref<16x1024xf32, #tpu.memory_space<hbm>>
    tpu.enqueue_dma source(%arg6 : memref<16x1024xf32, #tpu.memory_space<vmem>>) target(%dma_start3A_40 : memref<16x1024xf32, #tpu.memory_space<hbm>>) target_semaphore(%arg10 : memref<!tpu.dma_semaphore, #tpu.memory_space<semaphore_mem>>)
    %mul3A_41 = arith.constant 64 : i32
    %mul3A_42 = arith.muli %add3A, %mul3A_41 : i32
    %add3A_43 = arith.constant 2048 : i32
    %add3A_44 = arith.addi %add3A_43, %mul3A_42 : i32
    %add3A_45 = arith.constant 32 : i32
    %add3A_46 = arith.addi %add3A_44, %add3A_45 : i32
    %add3A_47 = vector.broadcast %add3A_46 : i32 to vector<16xi32>
    %add3A_48 = arith.addi %add3A_47, %iota3A : vector<16xi32>
    %mul3A_49 = arith.constant 32 : i32
    %mul3A_50 = vector.broadcast %mul3A_49 : i32 to vector<16xi32>
    %mul3A_51 = arith.muli %add3A_48, %mul3A_50 : vector<16xi32>
    %swap3A_52 = arith.constant 0 : index
    %swap3A_53 = tpu.vector_load %arg4[%swap3A_52] {strides = array<i32>} : memref<16xi32, #tpu.memory_space<vmem>>, vector<16xi32>,
    tpu.vector_store %arg4[%swap3A_52], %mul3A_51 {strides = array<i32>} : memref<16xi32, #tpu.memory_space<vmem>>, vector<16xi32>,
    %dma_wait3A_54 = arith.constant 0 : i32
    %dma_wait3A_55 = tpu.memref_slice %arg3[%add3A_36, %dma_wait3A_54] : memref<2048x1024xf32, #tpu.memory_space<hbm>> -> memref<16x1024xf32, #tpu.memory_space<hbm>>
    %dma_wait3A_56 = arith.constant 0 : i32
    %dma_wait3A_57 = tpu.memref_slice %arg3[%add3A_36, %dma_wait3A_56] : memref<2048x1024xf32, #tpu.memory_space<hbm>> -> memref<16x1024xf32, #tpu.memory_space<hbm>>
    tpu.wait_dma2 semaphore(%arg10 : memref<!tpu.dma_semaphore, #tpu.memory_space<semaphore_mem>>) src(%arg6 : memref<16x1024xf32, #tpu.memory_space<vmem>>) dst(%dma_wait3A_57 : memref<16x1024xf32, #tpu.memory_space<hbm>>)
    %dma_start3A_58 = arith.constant 0 : i32
    %dma_start3A_59 = arith.constant 0 : i32
    %dma_start3A_60 = tpu.memref_slice %arg2[%dma_start3A_58, %dma_start3A_59] : memref<131072x1024xf32, #tpu.memory_space<hbm>> -> memref<131072x1024xf32, #tpu.memory_space<hbm>>
    tpu.enqueue_indirect_dma source(%dma_start3A_60 : memref<131072x1024xf32, #tpu.memory_space<hbm>>) target(%arg6 : memref<16x1024xf32, #tpu.memory_space<vmem>>) offsets(%arg4 : memref<16xi32, #tpu.memory_space<vmem>>) semaphore(%arg8 : memref<!tpu.dma_semaphore, #tpu.memory_space<semaphore_mem>>)
    %dma_wait3A_61 = arith.constant 0 : i32
    %dma_wait3A_62 = arith.constant 0 : i32
    %dma_wait3A_63 = tpu.memref_slice %arg2[%dma_wait3A_61, %dma_wait3A_62] : memref<131072x1024xf32, #tpu.memory_space<hbm>> -> memref<131072x1024xf32, #tpu.memory_space<hbm>>
    tpu.wait_indirect_dma semaphore(%arg9 : memref<!tpu.dma_semaphore, #tpu.memory_space<semaphore_mem>>) src(%dma_wait3A_63 : memref<131072x1024xf32, #tpu.memory_space<hbm>>) dst(%arg7 : memref<16x1024xf32, #tpu.memory_space<vmem>>)
    %mul3A_64 = arith.constant 64 : i32
    %mul3A_65 = arith.muli %add3A, %mul3A_64 : i32
    %add3A_66 = arith.constant 16 : i32
    %add3A_67 = arith.addi %mul3A_65, %add3A_66 : i32
    %dma_start3A_68 = arith.constant 0 : i32
    %dma_start3A_69 = tpu.memref_slice %arg3[%add3A_67, %dma_start3A_68] : memref<2048x1024xf32, #tpu.memory_space<hbm>> -> memref<16x1024xf32, #tpu.memory_space<hbm>>
    %dma_start3A_70 = arith.constant 0 : i32
    %dma_start3A_71 = tpu.memref_slice %arg3[%add3A_67, %dma_start3A_70] : memref<2048x1024xf32, #tpu.memory_space<hbm>> -> memref<16x1024xf32, #tpu.memory_space<hbm>>
    tpu.enqueue_dma source(%arg7 : memref<16x1024xf32, #tpu.memory_space<vmem>>) target(%dma_start3A_71 : memref<16x1024xf32, #tpu.memory_space<hbm>>) target_semaphore(%arg11 : memref<!tpu.dma_semaphore, #tpu.memory_space<semaphore_mem>>)
    %mul3A_72 = arith.constant 64 : i32
    %mul3A_73 = arith.muli %add3A, %mul3A_72 : i32
    %add3A_74 = arith.constant 2048 : i32
    %add3A_75 = arith.addi %add3A_74, %mul3A_73 : i32
    %add3A_76 = arith.constant 48 : i32
    %add3A_77 = arith.addi %add3A_75, %add3A_76 : i32
    %add3A_78 = vector.broadcast %add3A_77 : i32 to vector<16xi32>
    %add3A_79 = arith.addi %add3A_78, %iota3A : vector<16xi32>
    %mul3A_80 = arith.constant 32 : i32
    %mul3A_81 = vector.broadcast %mul3A_80 : i32 to vector<16xi32>
    %mul3A_82 = arith.muli %add3A_79, %mul3A_81 : vector<16xi32>
    %swap3A_83 = arith.constant 0 : index
    %swap3A_84 = tpu.vector_load %arg5[%swap3A_83] {strides = array<i32>} : memref<16xi32, #tpu.memory_space<vmem>>, vector<16xi32>,
    tpu.vector_store %arg5[%swap3A_83], %mul3A_82 {strides = array<i32>} : memref<16xi32, #tpu.memory_space<vmem>>, vector<16xi32>,
    %dma_wait3A_85 = arith.constant 0 : i32
    %dma_wait3A_86 = tpu.memref_slice %arg3[%add3A_67, %dma_wait3A_85] : memref<2048x1024xf32, #tpu.memory_space<hbm>> -> memref<16x1024xf32, #tpu.memory_space<hbm>>
    %dma_wait3A_87 = arith.constant 0 : i32
    %dma_wait3A_88 = tpu.memref_slice %arg3[%add3A_67, %dma_wait3A_87] : memref<2048x1024xf32, #tpu.memory_space<hbm>> -> memref<16x1024xf32, #tpu.memory_space<hbm>>
    tpu.wait_dma2 semaphore(%arg11 : memref<!tpu.dma_semaphore, #tpu.memory_space<semaphore_mem>>) src(%arg7 : memref<16x1024xf32, #tpu.memory_space<vmem>>) dst(%dma_wait3A_88 : memref<16x1024xf32, #tpu.memory_space<hbm>>)
    %dma_start3A_89 = arith.constant 0 : i32
    %dma_start3A_90 = arith.constant 0 : i32
    %dma_start3A_91 = tpu.memref_slice %arg2[%dma_start3A_89, %dma_start3A_90] : memref<131072x1024xf32, #tpu.memory_space<hbm>> -> memref<131072x1024xf32, #tpu.memory_space<hbm>>
    tpu.enqueue_indirect_dma source(%dma_start3A_91 : memref<131072x1024xf32, #tpu.memory_space<hbm>>) target(%arg7 : memref<16x1024xf32, #tpu.memory_space<vmem>>) offsets(%arg5 : memref<16xi32, #tpu.memory_space<vmem>>) semaphore(%arg9 : memref<!tpu.dma_semaphore, #tpu.memory_space<semaphore_mem>>)
    %dma_wait3A_92 = arith.constant 0 : i32
    %dma_wait3A_93 = arith.constant 0 : i32
    %dma_wait3A_94 = tpu.memref_slice %arg2[%dma_wait3A_92, %dma_wait3A_93] : memref<131072x1024xf32, #tpu.memory_space<hbm>> -> memref<131072x1024xf32, #tpu.memory_space<hbm>>
    tpu.wait_indirect_dma semaphore(%arg8 : memref<!tpu.dma_semaphore, #tpu.memory_space<semaphore_mem>>) src(%dma_wait3A_94 : memref<131072x1024xf32, #tpu.memory_space<hbm>>) dst(%arg6 : memref<16x1024xf32, #tpu.memory_space<vmem>>)
    %mul3A_95 = arith.constant 64 : i32
    %mul3A_96 = arith.muli %add3A, %mul3A_95 : i32
    %add3A_97 = arith.constant 32 : i32
    %add3A_98 = arith.addi %mul3A_96, %add3A_97 : i32
    %dma_start3A_99 = arith.constant 0 : i32
    %dma_start3A_100 = tpu.memref_slice %arg3[%add3A_98, %dma_start3A_99] : memref<2048x1024xf32, #tpu.memory_space<hbm>> -> memref<16x1024xf32, #tpu.memory_space<hbm>>
    %dma_start3A_101 = arith.constant 0 : i32
    %dma_start3A_102 = tpu.memref_slice %arg3[%add3A_98, %dma_start3A_101] : memref<2048x1024xf32, #tpu.memory_space<hbm>> -> memref<16x1024xf32, #tpu.memory_space<hbm>>
    tpu.enqueue_dma source(%arg6 : memref<16x1024xf32, #tpu.memory_space<vmem>>) target(%dma_start3A_102 : memref<16x1024xf32, #tpu.memory_space<hbm>>) target_semaphore(%arg10 : memref<!tpu.dma_semaphore, #tpu.memory_space<semaphore_mem>>)
    %dma_wait3A_103 = arith.constant 0 : i32
    %dma_wait3A_104 = arith.constant 0 : i32
    %dma_wait3A_105 = tpu.memref_slice %arg2[%dma_wait3A_103, %dma_wait3A_104] : memref<131072x1024xf32, #tpu.memory_space<hbm>> -> memref<131072x1024xf32, #tpu.memory_space<hbm>>
    tpu.wait_indirect_dma semaphore(%arg9 : memref<!tpu.dma_semaphore, #tpu.memory_space<semaphore_mem>>) src(%dma_wait3A_105 : memref<131072x1024xf32, #tpu.memory_space<hbm>>) dst(%arg7 : memref<16x1024xf32, #tpu.memory_space<vmem>>)
    %mul3A_106 = arith.constant 64 : i32
    %mul3A_107 = arith.muli %add3A, %mul3A_106 : i32
    %add3A_108 = arith.constant 48 : i32
    %add3A_109 = arith.addi %mul3A_107, %add3A_108 : i32
    %dma_start3A_110 = arith.constant 0 : i32
    %dma_start3A_111 = tpu.memref_slice %arg3[%add3A_109, %dma_start3A_110] : memref<2048x1024xf32, #tpu.memory_space<hbm>> -> memref<16x1024xf32, #tpu.memory_space<hbm>>
    %dma_start3A_112 = arith.constant 0 : i32
    %dma_start3A_113 = tpu.memref_slice %arg3[%add3A_109, %dma_start3A_112] : memref<2048x1024xf32, #tpu.memory_space<hbm>> -> memref<16x1024xf32, #tpu.memory_space<hbm>>
    tpu.enqueue_dma source(%arg7 : memref<16x1024xf32, #tpu.memory_space<vmem>>) target(%dma_start3A_113 : memref<16x1024xf32, #tpu.memory_space<hbm>>) target_semaphore(%arg11 : memref<!tpu.dma_semaphore, #tpu.memory_space<semaphore_mem>>)
    %dma_wait3A_114 = arith.constant 0 : i32
    %dma_wait3A_115 = tpu.memref_slice %arg3[%add3A_98, %dma_wait3A_114] : memref<2048x1024xf32, #tpu.memory_space<hbm>> -> memref<16x1024xf32, #tpu.memory_space<hbm>>
    %dma_wait3A_116 = arith.constant 0 : i32
    %dma_wait3A_117 = tpu.memref_slice %arg3[%add3A_98, %dma_wait3A_116] : memref<2048x1024xf32, #tpu.memory_space<hbm>> -> memref<16x1024xf32, #tpu.memory_space<hbm>>
    tpu.wait_dma2 semaphore(%arg10 : memref<!tpu.dma_semaphore, #tpu.memory_space<semaphore_mem>>) src(%arg6 : memref<16x1024xf32, #tpu.memory_space<vmem>>) dst(%dma_wait3A_117 : memref<16x1024xf32, #tpu.memory_space<hbm>>)
    %dma_wait3A_118 = arith.constant 0 : i32
    %dma_wait3A_119 = tpu.memref_slice %arg3[%add3A_109, %dma_wait3A_118] : memref<2048x1024xf32, #tpu.memory_space<hbm>> -> memref<16x1024xf32, #tpu.memory_space<hbm>>
    %dma_wait3A_120 = arith.constant 0 : i32
    %dma_wait3A_121 = tpu.memref_slice %arg3[%add3A_109, %dma_wait3A_120] : memref<2048x1024xf32, #tpu.memory_space<hbm>> -> memref<16x1024xf32, #tpu.memory_space<hbm>>
    tpu.wait_dma2 semaphore(%arg11 : memref<!tpu.dma_semaphore, #tpu.memory_space<semaphore_mem>>) src(%arg7 : memref<16x1024xf32, #tpu.memory_space<vmem>>) dst(%dma_wait3A_121 : memref<16x1024xf32, #tpu.memory_space<hbm>>)
    return
  }
}

#map = affine_map<(d0, d1) -> (0, 0)>
module attributes {stable_mosaic.version = 14 : i64} {
  func.func @gather_kernel(%arg0: i32, %arg1: i32, %arg2: memref<131072x1024xf32, #tpu.memory_space<hbm>>, %arg3: memref<2048x1024xf32, #tpu.memory_space<hbm>>, %arg4: memref<16xi32, #tpu.memory_space<vmem>>, %arg5: memref<16xi32, #tpu.memory_space<vmem>>, %arg6: memref<16x1024xf32, #tpu.memory_space<vmem>>, %arg7: memref<16x1024xf32, #tpu.memory_space<vmem>>, %arg8: memref<!tpu.dma_semaphore, #tpu.memory_space<semaphore_mem>>, %arg9: memref<!tpu.dma_semaphore, #tpu.memory_space<semaphore_mem>>, %arg10: memref<!tpu.dma_semaphore, #tpu.memory_space<semaphore_mem>>, %arg11: memref<!tpu.dma_semaphore, #tpu.memory_space<semaphore_mem>>) attributes {dimension_semantics = [#tpu.dimension_semantics<core_parallel>, #tpu.dimension_semantics<subcore_parallel>], iteration_bounds = array<i64: 2, 16>, scalar_prefetch = 0 : i64, scratch_operands = 8 : i64, tpu.core_type = #tpu.core_type<sc_vector_subcore>, window_params = [{transform_indices = #map}, {transform_indices = #map}]} {
    %mul3A = arith.constant 16 : i32
    %mul3A_0 = arith.muli %arg0, %mul3A : i32
    %add3A = arith.addi %mul3A_0, %arg1 : i32
    %iota3A = tpu.iota {dimensions = array<i32: 0>} : vector<16xi32>
    %mul3A_1 = arith.constant 64 : i32
    %mul3A_2 = arith.muli %add3A, %mul3A_1 : i32
    %add3A_3 = arith.constant 0 : i32
    %add3A_4 = arith.addi %add3A_3, %mul3A_2 : i32
    %add3A_5 = arith.constant 0 : i32
    %add3A_6 = arith.addi %add3A_4, %add3A_5 : i32
    %add3A_7 = vector.broadcast %add3A_6 : i32 to vector<16xi32>
    %add3A_8 = arith.addi %add3A_7, %iota3A : vector<16xi32>
    %mul3A_9 = arith.constant 32 : i32
    %mul3A_10 = vector.broadcast %mul3A_9 : i32 to vector<16xi32>
    %mul3A_11 = arith.muli %add3A_8, %mul3A_10 : vector<16xi32>
    %swap3A = arith.constant 0 : index
    %swap3A_12 = tpu.vector_load %arg4[%swap3A] {strides = array<i32>} : memref<16xi32, #tpu.memory_space<vmem>>, vector<16xi32>,
    tpu.vector_store %arg4[%swap3A], %mul3A_11 {strides = array<i32>} : memref<16xi32, #tpu.memory_space<vmem>>, vector<16xi32>,
    %dma_start3A = arith.constant 0 : i32
    %dma_start3A_13 = arith.constant 0 : i32
    %dma_start3A_14 = tpu.memref_slice %arg2[%dma_start3A, %dma_start3A_13] : memref<131072x1024xf32, #tpu.memory_space<hbm>> -> memref<131072x1024xf32, #tpu.memory_space<hbm>>
    tpu.enqueue_indirect_dma source(%dma_start3A_14 : memref<131072x1024xf32, #tpu.memory_space<hbm>>) target(%arg6 : memref<16x1024xf32, #tpu.memory_space<vmem>>) offsets(%arg4 : memref<16xi32, #tpu.memory_space<vmem>>) semaphore(%arg8 : memref<!tpu.dma_semaphore, #tpu.memory_space<semaphore_mem>>)
    %mul3A_15 = arith.constant 64 : i32
    %mul3A_16 = arith.muli %add3A, %mul3A_15 : i32
    %add3A_17 = arith.constant 0 : i32
    %add3A_18 = arith.addi %add3A_17, %mul3A_16 : i32
    %add3A_19 = arith.constant 16 : i32
    %add3A_20 = arith.addi %add3A_18, %add3A_19 : i32
    %add3A_21 = vector.broadcast %add3A_20 : i32 to vector<16xi32>
    %add3A_22 = arith.addi %add3A_21, %iota3A : vector<16xi32>
    %mul3A_23 = arith.constant 32 : i32
    %mul3A_24 = vector.broadcast %mul3A_23 : i32 to vector<16xi32>
    %mul3A_25 = arith.muli %add3A_22, %mul3A_24 : vector<16xi32>
    %swap3A_26 = arith.constant 0 : index
    %swap3A_27 = tpu.vector_load %arg5[%swap3A_26] {strides = array<i32>} : memref<16xi32, #tpu.memory_space<vmem>>, vector<16xi32>,
    tpu.vector_store %arg5[%swap3A_26], %mul3A_25 {strides = array<i32>} : memref<16xi32, #tpu.memory_space<vmem>>, vector<16xi32>,
    %dma_start3A_28 = arith.constant 0 : i32
    %dma_start3A_29 = arith.constant 0 : i32
    %dma_start3A_30 = tpu.memref_slice %arg2[%dma_start3A_28, %dma_start3A_29] : memref<131072x1024xf32, #tpu.memory_space<hbm>> -> memref<131072x1024xf32, #tpu.memory_space<hbm>>
    tpu.enqueue_indirect_dma source(%dma_start3A_30 : memref<131072x1024xf32, #tpu.memory_space<hbm>>) target(%arg7 : memref<16x1024xf32, #tpu.memory_space<vmem>>) offsets(%arg5 : memref<16xi32, #tpu.memory_space<vmem>>) semaphore(%arg9 : memref<!tpu.dma_semaphore, #tpu.memory_space<semaphore_mem>>)
    %dma_wait3A = arith.constant 0 : i32
    %dma_wait3A_31 = arith.constant 0 : i32
    %dma_wait3A_32 = tpu.memref_slice %arg2[%dma_wait3A, %dma_wait3A_31] : memref<131072x1024xf32, #tpu.memory_space<hbm>> -> memref<131072x1024xf32, #tpu.memory_space<hbm>>
    tpu.wait_indirect_dma semaphore(%arg8 : memref<!tpu.dma_semaphore, #tpu.memory_space<semaphore_mem>>) src(%dma_wait3A_32 : memref<131072x1024xf32, #tpu.memory_space<hbm>>) dst(%arg6 : memref<16x1024xf32, #tpu.memory_space<vmem>>)
    %mul3A_33 = arith.constant 64 : i32
    %mul3A_34 = arith.muli %add3A, %mul3A_33 : i32
    %add3A_35 = arith.constant 0 : i32
    %add3A_36 = arith.addi %mul3A_34, %add3A_35 : i32
    %dma_start3A_37 = arith.constant 0 : i32
    %dma_start3A_38 = tpu.memref_slice %arg3[%add3A_36, %dma_start3A_37] : memref<2048x1024xf32, #tpu.memory_space<hbm>> -> memref<16x1024xf32, #tpu.memory_space<hbm>>
    %dma_start3A_39 = arith.constant 0 : i32
    %dma_start3A_40 = tpu.memref_slice %arg3[%add3A_36, %dma_start3A_39] : memref<2048x1024xf32, #tpu.memory_space<hbm>> -> memref<16x1024xf32, #tpu.memory_space<hbm>>
    tpu.enqueue_dma source(%arg6 : memref<16x1024xf32, #tpu.memory_space<vmem>>) target(%dma_start3A_40 : memref<16x1024xf32, #tpu.memory_space<hbm>>) target_semaphore(%arg10 : memref<!tpu.dma_semaphore, #tpu.memory_space<semaphore_mem>>)
    %mul3A_41 = arith.constant 64 : i32
    %mul3A_42 = arith.muli %add3A, %mul3A_41 : i32
    %add3A_43 = arith.constant 0 : i32
    %add3A_44 = arith.addi %add3A_43, %mul3A_42 : i32
    %add3A_45 = arith.constant 32 : i32
    %add3A_46 = arith.addi %add3A_44, %add3A_45 : i32
    %add3A_47 = vector.broadcast %add3A_46 : i32 to vector<16xi32>
    %add3A_48 = arith.addi %add3A_47, %iota3A : vector<16xi32>
    %mul3A_49 = arith.constant 32 : i32
    %mul3A_50 = vector.broadcast %mul3A_49 : i32 to vector<16xi32>
    %mul3A_51 = arith.muli %add3A_48, %mul3A_50 : vector<16xi32>
    %swap3A_52 = arith.constant 0 : index
    %swap3A_53 = tpu.vector_load %arg4[%swap3A_52] {strides = array<i32>} : memref<16xi32, #tpu.memory_space<vmem>>, vector<16xi32>,
    tpu.vector_store %arg4[%swap3A_52], %mul3A_51 {strides = array<i32>} : memref<16xi32, #tpu.memory_space<vmem>>, vector<16xi32>,
    %dma_wait3A_54 = arith.constant 0 : i32
    %dma_wait3A_55 = tpu.memref_slice %arg3[%add3A_36, %dma_wait3A_54] : memref<2048x1024xf32, #tpu.memory_space<hbm>> -> memref<16x1024xf32, #tpu.memory_space<hbm>>
    %dma_wait3A_56 = arith.constant 0 : i32
    %dma_wait3A_57 = tpu.memref_slice %arg3[%add3A_36, %dma_wait3A_56] : memref<2048x1024xf32, #tpu.memory_space<hbm>> -> memref<16x1024xf32, #tpu.memory_space<hbm>>
    tpu.wait_dma2 semaphore(%arg10 : memref<!tpu.dma_semaphore, #tpu.memory_space<semaphore_mem>>) src(%arg6 : memref<16x1024xf32, #tpu.memory_space<vmem>>) dst(%dma_wait3A_57 : memref<16x1024xf32, #tpu.memory_space<hbm>>)
    %dma_start3A_58 = arith.constant 0 : i32
    %dma_start3A_59 = arith.constant 0 : i32
    %dma_start3A_60 = tpu.memref_slice %arg2[%dma_start3A_58, %dma_start3A_59] : memref<131072x1024xf32, #tpu.memory_space<hbm>> -> memref<131072x1024xf32, #tpu.memory_space<hbm>>
    tpu.enqueue_indirect_dma source(%dma_start3A_60 : memref<131072x1024xf32, #tpu.memory_space<hbm>>) target(%arg6 : memref<16x1024xf32, #tpu.memory_space<vmem>>) offsets(%arg4 : memref<16xi32, #tpu.memory_space<vmem>>) semaphore(%arg8 : memref<!tpu.dma_semaphore, #tpu.memory_space<semaphore_mem>>)
    %dma_wait3A_61 = arith.constant 0 : i32
    %dma_wait3A_62 = arith.constant 0 : i32
    %dma_wait3A_63 = tpu.memref_slice %arg2[%dma_wait3A_61, %dma_wait3A_62] : memref<131072x1024xf32, #tpu.memory_space<hbm>> -> memref<131072x1024xf32, #tpu.memory_space<hbm>>
    tpu.wait_indirect_dma semaphore(%arg9 : memref<!tpu.dma_semaphore, #tpu.memory_space<semaphore_mem>>) src(%dma_wait3A_63 : memref<131072x1024xf32, #tpu.memory_space<hbm>>) dst(%arg7 : memref<16x1024xf32, #tpu.memory_space<vmem>>)
    %mul3A_64 = arith.constant 64 : i32
    %mul3A_65 = arith.muli %add3A, %mul3A_64 : i32
    %add3A_66 = arith.constant 16 : i32
    %add3A_67 = arith.addi %mul3A_65, %add3A_66 : i32
    %dma_start3A_68 = arith.constant 0 : i32
    %dma_start3A_69 = tpu.memref_slice %arg3[%add3A_67, %dma_start3A_68] : memref<2048x1024xf32, #tpu.memory_space<hbm>> -> memref<16x1024xf32, #tpu.memory_space<hbm>>
    %dma_start3A_70 = arith.constant 0 : i32
    %dma_start3A_71 = tpu.memref_slice %arg3[%add3A_67, %dma_start3A_70] : memref<2048x1024xf32, #tpu.memory_space<hbm>> -> memref<16x1024xf32, #tpu.memory_space<hbm>>
    tpu.enqueue_dma source(%arg7 : memref<16x1024xf32, #tpu.memory_space<vmem>>) target(%dma_start3A_71 : memref<16x1024xf32, #tpu.memory_space<hbm>>) target_semaphore(%arg11 : memref<!tpu.dma_semaphore, #tpu.memory_space<semaphore_mem>>)
    %mul3A_72 = arith.constant 64 : i32
    %mul3A_73 = arith.muli %add3A, %mul3A_72 : i32
    %add3A_74 = arith.constant 0 : i32
    %add3A_75 = arith.addi %add3A_74, %mul3A_73 : i32
    %add3A_76 = arith.constant 48 : i32
    %add3A_77 = arith.addi %add3A_75, %add3A_76 : i32
    %add3A_78 = vector.broadcast %add3A_77 : i32 to vector<16xi32>
    %add3A_79 = arith.addi %add3A_78, %iota3A : vector<16xi32>
    %mul3A_80 = arith.constant 32 : i32
    %mul3A_81 = vector.broadcast %mul3A_80 : i32 to vector<16xi32>
    %mul3A_82 = arith.muli %add3A_79, %mul3A_81 : vector<16xi32>
    %swap3A_83 = arith.constant 0 : index
    %swap3A_84 = tpu.vector_load %arg5[%swap3A_83] {strides = array<i32>} : memref<16xi32, #tpu.memory_space<vmem>>, vector<16xi32>,
    tpu.vector_store %arg5[%swap3A_83], %mul3A_82 {strides = array<i32>} : memref<16xi32, #tpu.memory_space<vmem>>, vector<16xi32>,
    %dma_wait3A_85 = arith.constant 0 : i32
    %dma_wait3A_86 = tpu.memref_slice %arg3[%add3A_67, %dma_wait3A_85] : memref<2048x1024xf32, #tpu.memory_space<hbm>> -> memref<16x1024xf32, #tpu.memory_space<hbm>>
    %dma_wait3A_87 = arith.constant 0 : i32
    %dma_wait3A_88 = tpu.memref_slice %arg3[%add3A_67, %dma_wait3A_87] : memref<2048x1024xf32, #tpu.memory_space<hbm>> -> memref<16x1024xf32, #tpu.memory_space<hbm>>
    tpu.wait_dma2 semaphore(%arg11 : memref<!tpu.dma_semaphore, #tpu.memory_space<semaphore_mem>>) src(%arg7 : memref<16x1024xf32, #tpu.memory_space<vmem>>) dst(%dma_wait3A_88 : memref<16x1024xf32, #tpu.memory_space<hbm>>)
    %dma_start3A_89 = arith.constant 0 : i32
    %dma_start3A_90 = arith.constant 0 : i32
    %dma_start3A_91 = tpu.memref_slice %arg2[%dma_start3A_89, %dma_start3A_90] : memref<131072x1024xf32, #tpu.memory_space<hbm>> -> memref<131072x1024xf32, #tpu.memory_space<hbm>>
    tpu.enqueue_indirect_dma source(%dma_start3A_91 : memref<131072x1024xf32, #tpu.memory_space<hbm>>) target(%arg7 : memref<16x1024xf32, #tpu.memory_space<vmem>>) offsets(%arg5 : memref<16xi32, #tpu.memory_space<vmem>>) semaphore(%arg9 : memref<!tpu.dma_semaphore, #tpu.memory_space<semaphore_mem>>)
    %dma_wait3A_92 = arith.constant 0 : i32
    %dma_wait3A_93 = arith.constant 0 : i32
    %dma_wait3A_94 = tpu.memref_slice %arg2[%dma_wait3A_92, %dma_wait3A_93] : memref<131072x1024xf32, #tpu.memory_space<hbm>> -> memref<131072x1024xf32, #tpu.memory_space<hbm>>
    tpu.wait_indirect_dma semaphore(%arg8 : memref<!tpu.dma_semaphore, #tpu.memory_space<semaphore_mem>>) src(%dma_wait3A_94 : memref<131072x1024xf32, #tpu.memory_space<hbm>>) dst(%arg6 : memref<16x1024xf32, #tpu.memory_space<vmem>>)
    %mul3A_95 = arith.constant 64 : i32
    %mul3A_96 = arith.muli %add3A, %mul3A_95 : i32
    %add3A_97 = arith.constant 32 : i32
    %add3A_98 = arith.addi %mul3A_96, %add3A_97 : i32
    %dma_start3A_99 = arith.constant 0 : i32
    %dma_start3A_100 = tpu.memref_slice %arg3[%add3A_98, %dma_start3A_99] : memref<2048x1024xf32, #tpu.memory_space<hbm>> -> memref<16x1024xf32, #tpu.memory_space<hbm>>
    %dma_start3A_101 = arith.constant 0 : i32
    %dma_start3A_102 = tpu.memref_slice %arg3[%add3A_98, %dma_start3A_101] : memref<2048x1024xf32, #tpu.memory_space<hbm>> -> memref<16x1024xf32, #tpu.memory_space<hbm>>
    tpu.enqueue_dma source(%arg6 : memref<16x1024xf32, #tpu.memory_space<vmem>>) target(%dma_start3A_102 : memref<16x1024xf32, #tpu.memory_space<hbm>>) target_semaphore(%arg10 : memref<!tpu.dma_semaphore, #tpu.memory_space<semaphore_mem>>)
    %dma_wait3A_103 = arith.constant 0 : i32
    %dma_wait3A_104 = arith.constant 0 : i32
    %dma_wait3A_105 = tpu.memref_slice %arg2[%dma_wait3A_103, %dma_wait3A_104] : memref<131072x1024xf32, #tpu.memory_space<hbm>> -> memref<131072x1024xf32, #tpu.memory_space<hbm>>
    tpu.wait_indirect_dma semaphore(%arg9 : memref<!tpu.dma_semaphore, #tpu.memory_space<semaphore_mem>>) src(%dma_wait3A_105 : memref<131072x1024xf32, #tpu.memory_space<hbm>>) dst(%arg7 : memref<16x1024xf32, #tpu.memory_space<vmem>>)
    %mul3A_106 = arith.constant 64 : i32
    %mul3A_107 = arith.muli %add3A, %mul3A_106 : i32
    %add3A_108 = arith.constant 48 : i32
    %add3A_109 = arith.addi %mul3A_107, %add3A_108 : i32
    %dma_start3A_110 = arith.constant 0 : i32
    %dma_start3A_111 = tpu.memref_slice %arg3[%add3A_109, %dma_start3A_110] : memref<2048x1024xf32, #tpu.memory_space<hbm>> -> memref<16x1024xf32, #tpu.memory_space<hbm>>
    %dma_start3A_112 = arith.constant 0 : i32
    %dma_start3A_113 = tpu.memref_slice %arg3[%add3A_109, %dma_start3A_112] : memref<2048x1024xf32, #tpu.memory_space<hbm>> -> memref<16x1024xf32, #tpu.memory_space<hbm>>
    tpu.enqueue_dma source(%arg7 : memref<16x1024xf32, #tpu.memory_space<vmem>>) target(%dma_start3A_113 : memref<16x1024xf32, #tpu.memory_space<hbm>>) target_semaphore(%arg11 : memref<!tpu.dma_semaphore, #tpu.memory_space<semaphore_mem>>)
    %dma_wait3A_114 = arith.constant 0 : i32
    %dma_wait3A_115 = tpu.memref_slice %arg3[%add3A_98, %dma_wait3A_114] : memref<2048x1024xf32, #tpu.memory_space<hbm>> -> memref<16x1024xf32, #tpu.memory_space<hbm>>
    %dma_wait3A_116 = arith.constant 0 : i32
    %dma_wait3A_117 = tpu.memref_slice %arg3[%add3A_98, %dma_wait3A_116] : memref<2048x1024xf32, #tpu.memory_space<hbm>> -> memref<16x1024xf32, #tpu.memory_space<hbm>>
    tpu.wait_dma2 semaphore(%arg10 : memref<!tpu.dma_semaphore, #tpu.memory_space<semaphore_mem>>) src(%arg6 : memref<16x1024xf32, #tpu.memory_space<vmem>>) dst(%dma_wait3A_117 : memref<16x1024xf32, #tpu.memory_space<hbm>>)
    %dma_wait3A_118 = arith.constant 0 : i32
    %dma_wait3A_119 = tpu.memref_slice %arg3[%add3A_109, %dma_wait3A_118] : memref<2048x1024xf32, #tpu.memory_space<hbm>> -> memref<16x1024xf32, #tpu.memory_space<hbm>>
    %dma_wait3A_120 = arith.constant 0 : i32
    %dma_wait3A_121 = tpu.memref_slice %arg3[%add3A_109, %dma_wait3A_120] : memref<2048x1024xf32, #tpu.memory_space<hbm>> -> memref<16x1024xf32, #tpu.memory_space<hbm>>
    tpu.wait_dma2 semaphore(%arg11 : memref<!tpu.dma_semaphore, #tpu.memory_space<semaphore_mem>>) src(%arg7 : memref<16x1024xf32, #tpu.memory_space<vmem>>) dst(%dma_wait3A_121 : memref<16x1024xf32, #tpu.memory_space<hbm>>)
    return
  }
}

module attributes {stable_mosaic.version = 14 : i64} {
  func.func @_tc_body(%arg0: i32, %arg1: memref<4x256x1024xf32, #tpu.memory_space<vmem>>, %arg2: memref<4x32x256xf32, #tpu.memory_space<vmem>>, %arg3: memref<4x1x1024xf32, #tpu.memory_space<vmem>>, %arg4: memref<4x1x1024xf32, #tpu.memory_space<vmem>>, %arg5: memref<4x8x128xi32, #tpu.memory_space<vmem>>) attributes {dimension_semantics = [#tpu.dimension_semantics<arbitrary>], iteration_bounds = array<i64: 2>, scalar_prefetch = 0 : i64, scratch_operands = 0 : i64, tpu.core_type = #tpu.core_type<tc>, window_params = [{transform_indices = @transform_0, window_bounds = array<i64: 4, 256, 1024>}, {transform_indices = @transform_1, window_bounds = array<i64: 4, 32, 256>}, {transform_indices = @transform_2, window_bounds = array<i64: 4, 1, 1024>}, {transform_indices = @transform_3, window_bounds = array<i64: 4, 1, 1024>}, {transform_indices = @transform_4, window_bounds = array<i64: 4, 8, 128>}]} {
    %get3A = arith.constant 0 : index
    %get3A_0 = arith.constant 0 : index
    %get3A_1 = arith.constant 0 : index
    %get3A_2 = vector.load %arg1[%get3A, %get3A_0, %get3A_1] : memref<4x256x1024xf32, #tpu.memory_space<vmem>>, vector<4x256x1024xf32>
    %get3A_3 = arith.constant 0 : index
    %get3A_4 = arith.constant 0 : index
    %get3A_5 = arith.constant 0 : index
    %get3A_6 = vector.load %arg3[%get3A_3, %get3A_4, %get3A_5] : memref<4x1x1024xf32, #tpu.memory_space<vmem>>, vector<4x1x1024xf32>
    %get3A_7 = arith.constant 0 : index
    %get3A_8 = arith.constant 0 : index
    %get3A_9 = arith.constant 0 : index
    %get3A_10 = vector.load %arg2[%get3A_7, %get3A_8, %get3A_9] : memref<4x32x256xf32, #tpu.memory_space<vmem>>, vector<4x1x256xf32>
    %get3A_11 = vector.shape_cast %get3A_10 : vector<4x1x256xf32> to vector<4x256xf32>
    %mul3A = arith.mulf %get3A_6, %get3A_6 : vector<4x1x1024xf32>
    %reduce_sum3A = arith.constant dense<0.000000e+00> : vector<4x1xf32>
    %reduce_sum3A_12 = vector.multi_reduction <add>, %mul3A, %reduce_sum3A [2] : vector<4x1x1024xf32> to vector<4x1xf32>
    %broadcast_in_dim3A = vector.shape_cast %reduce_sum3A_12 : vector<4x1xf32> to vector<4x1x1xf32>
    %sqrt3A = math.sqrt %broadcast_in_dim3A : vector<4x1x1xf32>
    %max3A = arith.constant 9.99999996E-13 : f32
    %max3A_13 = vector.broadcast %max3A : f32 to vector<4x1x1xf32>
    %max3A_14 = arith.maximumf %sqrt3A, %max3A_13 : vector<4x1x1xf32>
    %div3A = vector.broadcast %max3A_14 : vector<4x1x1xf32> to vector<4x1x1024xf32>
    %div3A_15 = arith.divf %get3A_6, %div3A : vector<4x1x1024xf32>
    %mul3A_16 = arith.mulf %get3A_2, %get3A_2 : vector<4x256x1024xf32>
    %reduce_sum3A_17 = arith.constant dense<0.000000e+00> : vector<4x256xf32>
    %reduce_sum3A_18 = vector.multi_reduction <add>, %mul3A_16, %reduce_sum3A_17 [2] : vector<4x256x1024xf32> to vector<4x256xf32>
    %broadcast_in_dim3A_19 = vector.shape_cast %reduce_sum3A_18 : vector<4x256xf32> to vector<4x256x1xf32>
    %sqrt3A_20 = math.sqrt %broadcast_in_dim3A_19 : vector<4x256x1xf32>
    %max3A_21 = arith.constant 9.99999996E-13 : f32
    %max3A_22 = vector.broadcast %max3A_21 : f32 to vector<4x256x1xf32>
    %max3A_23 = arith.maximumf %sqrt3A_20, %max3A_22 : vector<4x256x1xf32>
    %div3A_24 = vector.broadcast %max3A_23 : vector<4x256x1xf32> to vector<4x256x1024xf32>
    %div3A_25 = arith.divf %get3A_2, %div3A_24 : vector<4x256x1024xf32>
    %convert_element_type3A = arith.truncf %div3A_25 : vector<4x256x1024xf32> to vector<4x256x1024xbf16>
    %convert_element_type3A_26 = arith.truncf %div3A_15 : vector<4x1x1024xf32> to vector<4x1x1024xbf16>
    %slice3A = vector.extract_strided_slice %convert_element_type3A_26 {offsets = [0, 0, 0], sizes = [1, 1, 1024], strides = [1, 1, 1]} : vector<4x1x1024xbf16> to vector<1x1x1024xbf16>
    %squeeze3A = vector.shape_cast %slice3A : vector<1x1x1024xbf16> to vector<1x1024xbf16>
    %broadcast_in_dim3A_27 = vector.shape_cast %squeeze3A : vector<1x1024xbf16> to vector<1x1024xbf16>
    %broadcast_in_dim3A_28 = vector.broadcast %broadcast_in_dim3A_27 : vector<1x1024xbf16> to vector<8x1024xbf16>
    %slice3A_29 = vector.extract_strided_slice %convert_element_type3A {offsets = [0, 0, 0], sizes = [1, 256, 1024], strides = [1, 1, 1]} : vector<4x256x1024xbf16> to vector<1x256x1024xbf16>
    %squeeze3A_30 = vector.shape_cast %slice3A_29 : vector<1x256x1024xbf16> to vector<256x1024xbf16>
    %dot_general3A = arith.constant dense<0.000000e+00> : vector<8x256xf32>
    %dot_general3A_31 = tpu.matmul %broadcast_in_dim3A_28, %squeeze3A_30, %dot_general3A {dimension_numbers = #tpu.dot_dimension_numbers<[1], [1], [0], [0], [0, 0, 1, 0], [], []>, transpose_lhs_hint = false} : vector<8x1024xbf16>, vector<256x1024xbf16>, vector<8x256xf32> -> vector<8x256xf32>
    %slice3A_32 = vector.extract_strided_slice %dot_general3A_31 {offsets = [0, 0], sizes = [1, 256], strides = [1, 1]} : vector<8x256xf32> to vector<1x256xf32>
    %slice3A_33 = vector.extract_strided_slice %convert_element_type3A_26 {offsets = [1, 0, 0], sizes = [1, 1, 1024], strides = [1, 1, 1]} : vector<4x1x1024xbf16> to vector<1x1x1024xbf16>
    %squeeze3A_34 = vector.shape_cast %slice3A_33 : vector<1x1x1024xbf16> to vector<1x1024xbf16>
    %broadcast_in_dim3A_35 = vector.shape_cast %squeeze3A_34 : vector<1x1024xbf16> to vector<1x1024xbf16>
    %broadcast_in_dim3A_36 = vector.broadcast %broadcast_in_dim3A_35 : vector<1x1024xbf16> to vector<8x1024xbf16>
    %slice3A_37 = vector.extract_strided_slice %convert_element_type3A {offsets = [1, 0, 0], sizes = [1, 256, 1024], strides = [1, 1, 1]} : vector<4x256x1024xbf16> to vector<1x256x1024xbf16>
    %squeeze3A_38 = vector.shape_cast %slice3A_37 : vector<1x256x1024xbf16> to vector<256x1024xbf16>
    %dot_general3A_39 = arith.constant dense<0.000000e+00> : vector<8x256xf32>
    %dot_general3A_40 = tpu.matmul %broadcast_in_dim3A_36, %squeeze3A_38, %dot_general3A_39 {dimension_numbers = #tpu.dot_dimension_numbers<[1], [1], [0], [0], [0, 0, 1, 0], [], []>, transpose_lhs_hint = false} : vector<8x1024xbf16>, vector<256x1024xbf16>, vector<8x256xf32> -> vector<8x256xf32>
    %slice3A_41 = vector.extract_strided_slice %dot_general3A_40 {offsets = [0, 0], sizes = [1, 256], strides = [1, 1]} : vector<8x256xf32> to vector<1x256xf32>
    %slice3A_42 = vector.extract_strided_slice %convert_element_type3A_26 {offsets = [2, 0, 0], sizes = [1, 1, 1024], strides = [1, 1, 1]} : vector<4x1x1024xbf16> to vector<1x1x1024xbf16>
    %squeeze3A_43 = vector.shape_cast %slice3A_42 : vector<1x1x1024xbf16> to vector<1x1024xbf16>
    %broadcast_in_dim3A_44 = vector.shape_cast %squeeze3A_43 : vector<1x1024xbf16> to vector<1x1024xbf16>
    %broadcast_in_dim3A_45 = vector.broadcast %broadcast_in_dim3A_44 : vector<1x1024xbf16> to vector<8x1024xbf16>
    %slice3A_46 = vector.extract_strided_slice %convert_element_type3A {offsets = [2, 0, 0], sizes = [1, 256, 1024], strides = [1, 1, 1]} : vector<4x256x1024xbf16> to vector<1x256x1024xbf16>
    %squeeze3A_47 = vector.shape_cast %slice3A_46 : vector<1x256x1024xbf16> to vector<256x1024xbf16>
    %dot_general3A_48 = arith.constant dense<0.000000e+00> : vector<8x256xf32>
    %dot_general3A_49 = tpu.matmul %broadcast_in_dim3A_45, %squeeze3A_47, %dot_general3A_48 {dimension_numbers = #tpu.dot_dimension_numbers<[1], [1], [0], [0], [0, 0, 1, 0], [], []>, transpose_lhs_hint = false} : vector<8x1024xbf16>, vector<256x1024xbf16>, vector<8x256xf32> -> vector<8x256xf32>
    %slice3A_50 = vector.extract_strided_slice %dot_general3A_49 {offsets = [0, 0], sizes = [1, 256], strides = [1, 1]} : vector<8x256xf32> to vector<1x256xf32>
    %slice3A_51 = vector.extract_strided_slice %convert_element_type3A_26 {offsets = [3, 0, 0], sizes = [1, 1, 1024], strides = [1, 1, 1]} : vector<4x1x1024xbf16> to vector<1x1x1024xbf16>
    %squeeze3A_52 = vector.shape_cast %slice3A_51 : vector<1x1x1024xbf16> to vector<1x1024xbf16>
    %broadcast_in_dim3A_53 = vector.shape_cast %squeeze3A_52 : vector<1x1024xbf16> to vector<1x1024xbf16>
    %broadcast_in_dim3A_54 = vector.broadcast %broadcast_in_dim3A_53 : vector<1x1024xbf16> to vector<8x1024xbf16>
    %slice3A_55 = vector.extract_strided_slice %convert_element_type3A {offsets = [3, 0, 0], sizes = [1, 256, 1024], strides = [1, 1, 1]} : vector<4x256x1024xbf16> to vector<1x256x1024xbf16>
    %squeeze3A_56 = vector.shape_cast %slice3A_55 : vector<1x256x1024xbf16> to vector<256x1024xbf16>
    %dot_general3A_57 = arith.constant dense<0.000000e+00> : vector<8x256xf32>
    %dot_general3A_58 = tpu.matmul %broadcast_in_dim3A_54, %squeeze3A_56, %dot_general3A_57 {dimension_numbers = #tpu.dot_dimension_numbers<[1], [1], [0], [0], [0, 0, 1, 0], [], []>, transpose_lhs_hint = false} : vector<8x1024xbf16>, vector<256x1024xbf16>, vector<8x256xf32> -> vector<8x256xf32>
    %slice3A_59 = vector.extract_strided_slice %dot_general3A_58 {offsets = [0, 0], sizes = [1, 256], strides = [1, 1]} : vector<8x256xf32> to vector<1x256xf32>
    %gt3A = arith.constant 0.000000e+00 : f32
    %gt3A_60 = vector.broadcast %gt3A : f32 to vector<4x256xf32>
    %gt3A_61 = arith.cmpf ogt, %get3A_11, %gt3A_60 : vector<4x256xf32>
    %concatenate3A = tpu.concatenate %slice3A_32, %slice3A_41, %slice3A_50, %slice3A_59 in 0 : vector<1x256xf32>, vector<1x256xf32>, vector<1x256xf32>, vector<1x256xf32> -> vector<4x256xf32>
    %jit3A = arith.constant 0xFF800000 : f32
    %broadcast_in_dim3A_62 = vector.broadcast %jit3A : f32 to vector<4x256xf32>
    %select_n3A = arith.select %gt3A_61, %concatenate3A, %broadcast_in_dim3A_62 : vector<4x256xi1>, vector<4x256xf32>
    %iota3A = tpu.iota {dimensions = array<i32: 1>} : vector<4x256xi32>
    %reduce_max3A = arith.constant dense<0xFF800000> : vector<4xf32>
    %reduce_max3A_63 = vector.multi_reduction <maximumf>, %select_n3A, %reduce_max3A [1] : vector<4x256xf32> to vector<4xf32>
    %broadcast_in_dim3A_64 = vector.shape_cast %reduce_max3A_63 : vector<4xf32> to vector<4x1xf32>
    %eq3A = vector.broadcast %broadcast_in_dim3A_64 : vector<4x1xf32> to vector<4x256xf32>
    %eq3A_65 = arith.cmpf oeq, %select_n3A, %eq3A : vector<4x256xf32>
    %jit3A_66 = arith.constant 256 : i32
    %broadcast_in_dim3A_67 = vector.broadcast %jit3A_66 : i32 to vector<4x256xi32>
    %select_n3A_68 = arith.select %eq3A_65, %iota3A, %broadcast_in_dim3A_67 : vector<4x256xi1>, vector<4x256xi32>
    %reduce_min3A = arith.constant dense<2147483647> : vector<4xi32>
    %reduce_min3A_69 = vector.multi_reduction <minsi>, %select_n3A_68, %reduce_min3A [1] : vector<4x256xi32> to vector<4xi32>
    %broadcast_in_dim3A_70 = vector.shape_cast %reduce_min3A_69 : vector<4xi32> to vector<4x1xi32>
    %eq3A_71 = vector.broadcast %broadcast_in_dim3A_70 : vector<4x1xi32> to vector<4x256xi32>
    %eq3A_72 = arith.cmpi eq, %iota3A, %eq3A_71 : vector<4x256xi32>
    %jit3A_73 = arith.constant 0xFF800000 : f32
    %broadcast_in_dim3A_74 = vector.broadcast %jit3A_73 : f32 to vector<4x256xf32>
    %select_n3A_75 = arith.select %eq3A_72, %broadcast_in_dim3A_74, %select_n3A : vector<4x256xi1>, vector<4x256xf32>
    %reduce_max3A_76 = arith.constant dense<0xFF800000> : vector<4xf32>
    %reduce_max3A_77 = vector.multi_reduction <maximumf>, %select_n3A_75, %reduce_max3A_76 [1] : vector<4x256xf32> to vector<4xf32>
    %broadcast_in_dim3A_78 = vector.shape_cast %reduce_max3A_77 : vector<4xf32> to vector<4x1xf32>
    %eq3A_79 = vector.broadcast %broadcast_in_dim3A_78 : vector<4x1xf32> to vector<4x256xf32>
    %eq3A_80 = arith.cmpf oeq, %select_n3A_75, %eq3A_79 : vector<4x256xf32>
    %jit3A_81 = arith.constant 256 : i32
    %broadcast_in_dim3A_82 = vector.broadcast %jit3A_81 : i32 to vector<4x256xi32>
    %select_n3A_83 = arith.select %eq3A_80, %iota3A, %broadcast_in_dim3A_82 : vector<4x256xi1>, vector<4x256xi32>
    %reduce_min3A_84 = arith.constant dense<2147483647> : vector<4xi32>
    %reduce_min3A_85 = vector.multi_reduction <minsi>, %select_n3A_83, %reduce_min3A_84 [1] : vector<4x256xi32> to vector<4xi32>
    %broadcast_in_dim3A_86 = vector.shape_cast %reduce_min3A_85 : vector<4xi32> to vector<4x1xi32>
    %eq3A_87 = vector.broadcast %broadcast_in_dim3A_86 : vector<4x1xi32> to vector<4x256xi32>
    %eq3A_88 = arith.cmpi eq, %iota3A, %eq3A_87 : vector<4x256xi32>
    %jit3A_89 = arith.constant 0xFF800000 : f32
    %broadcast_in_dim3A_90 = vector.broadcast %jit3A_89 : f32 to vector<4x256xf32>
    %select_n3A_91 = arith.select %eq3A_88, %broadcast_in_dim3A_90, %select_n3A_75 : vector<4x256xi1>, vector<4x256xf32>
    %reduce_max3A_92 = arith.constant dense<0xFF800000> : vector<4xf32>
    %reduce_max3A_93 = vector.multi_reduction <maximumf>, %select_n3A_91, %reduce_max3A_92 [1] : vector<4x256xf32> to vector<4xf32>
    %broadcast_in_dim3A_94 = vector.shape_cast %reduce_max3A_93 : vector<4xf32> to vector<4x1xf32>
    %eq3A_95 = vector.broadcast %broadcast_in_dim3A_94 : vector<4x1xf32> to vector<4x256xf32>
    %eq3A_96 = arith.cmpf oeq, %select_n3A_91, %eq3A_95 : vector<4x256xf32>
    %jit3A_97 = arith.constant 256 : i32
    %broadcast_in_dim3A_98 = vector.broadcast %jit3A_97 : i32 to vector<4x256xi32>
    %select_n3A_99 = arith.select %eq3A_96, %iota3A, %broadcast_in_dim3A_98 : vector<4x256xi1>, vector<4x256xi32>
    %reduce_min3A_100 = arith.constant dense<2147483647> : vector<4xi32>
    %reduce_min3A_101 = vector.multi_reduction <minsi>, %select_n3A_99, %reduce_min3A_100 [1] : vector<4x256xi32> to vector<4xi32>
    %broadcast_in_dim3A_102 = vector.shape_cast %reduce_min3A_101 : vector<4xi32> to vector<4x1xi32>
    %eq3A_103 = vector.broadcast %broadcast_in_dim3A_102 : vector<4x1xi32> to vector<4x256xi32>
    %eq3A_104 = arith.cmpi eq, %iota3A, %eq3A_103 : vector<4x256xi32>
    %jit3A_105 = arith.constant 0xFF800000 : f32
    %broadcast_in_dim3A_106 = vector.broadcast %jit3A_105 : f32 to vector<4x256xf32>
    %select_n3A_107 = arith.select %eq3A_104, %broadcast_in_dim3A_106, %select_n3A_91 : vector<4x256xi1>, vector<4x256xf32>
    %reduce_max3A_108 = arith.constant dense<0xFF800000> : vector<4xf32>
    %reduce_max3A_109 = vector.multi_reduction <maximumf>, %select_n3A_107, %reduce_max3A_108 [1] : vector<4x256xf32> to vector<4xf32>
    %broadcast_in_dim3A_110 = vector.shape_cast %reduce_max3A_109 : vector<4xf32> to vector<4x1xf32>
    %eq3A_111 = vector.broadcast %broadcast_in_dim3A_110 : vector<4x1xf32> to vector<4x256xf32>
    %eq3A_112 = arith.cmpf oeq, %select_n3A_107, %eq3A_111 : vector<4x256xf32>
    %jit3A_113 = arith.constant 256 : i32
    %broadcast_in_dim3A_114 = vector.broadcast %jit3A_113 : i32 to vector<4x256xi32>
    %select_n3A_115 = arith.select %eq3A_112, %iota3A, %broadcast_in_dim3A_114 : vector<4x256xi1>, vector<4x256xi32>
    %reduce_min3A_116 = arith.constant dense<2147483647> : vector<4xi32>
    %reduce_min3A_117 = vector.multi_reduction <minsi>, %select_n3A_115, %reduce_min3A_116 [1] : vector<4x256xi32> to vector<4xi32>
    %broadcast_in_dim3A_118 = vector.shape_cast %reduce_min3A_117 : vector<4xi32> to vector<4x1xi32>
    %eq3A_119 = vector.broadcast %broadcast_in_dim3A_70 : vector<4x1xi32> to vector<4x256xi32>
    %eq3A_120 = arith.cmpi eq, %iota3A, %eq3A_119 : vector<4x256xi32>
    %eq3A_121 = vector.broadcast %broadcast_in_dim3A_86 : vector<4x1xi32> to vector<4x256xi32>
    %eq3A_122 = arith.cmpi eq, %iota3A, %eq3A_121 : vector<4x256xi32>
    %or3A = arith.ori %eq3A_120, %eq3A_122 : vector<4x256xi1>
    %eq3A_123 = vector.broadcast %broadcast_in_dim3A_102 : vector<4x1xi32> to vector<4x256xi32>
    %eq3A_124 = arith.cmpi eq, %iota3A, %eq3A_123 : vector<4x256xi32>
    %or3A_125 = arith.ori %or3A, %eq3A_124 : vector<4x256xi1>
    %eq3A_126 = vector.broadcast %broadcast_in_dim3A_118 : vector<4x1xi32> to vector<4x256xi32>
    %eq3A_127 = arith.cmpi eq, %iota3A, %eq3A_126 : vector<4x256xi32>
    %or3A_128 = arith.ori %or3A_125, %eq3A_127 : vector<4x256xi1>
    %sub3A = vector.broadcast %broadcast_in_dim3A_64 : vector<4x1xf32> to vector<4x256xf32>
    %sub3A_129 = arith.subf %select_n3A, %sub3A : vector<4x256xf32>
    %exp3A = math.exp %sub3A_129 : vector<4x256xf32>
    %jit3A_130 = arith.constant 0.000000e+00 : f32
    %broadcast_in_dim3A_131 = vector.broadcast %jit3A_130 : f32 to vector<4x256xf32>
    %select_n3A_132 = arith.select %or3A_128, %exp3A, %broadcast_in_dim3A_131 : vector<4x256xi1>, vector<4x256xf32>
    %reduce_sum3A_133 = arith.constant dense<0.000000e+00> : vector<4xf32>
    %reduce_sum3A_134 = vector.multi_reduction <add>, %select_n3A_132, %reduce_sum3A_133 [1] : vector<4x256xf32> to vector<4xf32>
    %broadcast_in_dim3A_135 = vector.shape_cast %reduce_sum3A_134 : vector<4xf32> to vector<4x1xf32>
    %eq3A_136 = vector.broadcast %broadcast_in_dim3A_70 : vector<4x1xi32> to vector<4x256xi32>
    %eq3A_137 = arith.cmpi eq, %iota3A, %eq3A_136 : vector<4x256xi32>
    %jit3A_138 = arith.constant 0.000000e+00 : f32
    %broadcast_in_dim3A_139 = vector.broadcast %jit3A_138 : f32 to vector<4x256xf32>
    %select_n3A_140 = arith.select %eq3A_137, %select_n3A_132, %broadcast_in_dim3A_139 : vector<4x256xi1>, vector<4x256xf32>
    %reduce_sum3A_141 = arith.constant dense<0.000000e+00> : vector<4xf32>
    %reduce_sum3A_142 = vector.multi_reduction <add>, %select_n3A_140, %reduce_sum3A_141 [1] : vector<4x256xf32> to vector<4xf32>
    %broadcast_in_dim3A_143 = vector.shape_cast %reduce_sum3A_142 : vector<4xf32> to vector<4x1xf32>
    %div3A_144 = arith.divf %broadcast_in_dim3A_143, %broadcast_in_dim3A_135 : vector<4x1xf32>
    %eq3A_145 = vector.broadcast %broadcast_in_dim3A_86 : vector<4x1xi32> to vector<4x256xi32>
    %eq3A_146 = arith.cmpi eq, %iota3A, %eq3A_145 : vector<4x256xi32>
    %jit3A_147 = arith.constant 0.000000e+00 : f32
    %broadcast_in_dim3A_148 = vector.broadcast %jit3A_147 : f32 to vector<4x256xf32>
    %select_n3A_149 = arith.select %eq3A_146, %select_n3A_132, %broadcast_in_dim3A_148 : vector<4x256xi1>, vector<4x256xf32>
    %reduce_sum3A_150 = arith.constant dense<0.000000e+00> : vector<4xf32>
    %reduce_sum3A_151 = vector.multi_reduction <add>, %select_n3A_149, %reduce_sum3A_150 [1] : vector<4x256xf32> to vector<4xf32>
    %broadcast_in_dim3A_152 = vector.shape_cast %reduce_sum3A_151 : vector<4xf32> to vector<4x1xf32>
    %div3A_153 = arith.divf %broadcast_in_dim3A_152, %broadcast_in_dim3A_135 : vector<4x1xf32>
    %eq3A_154 = vector.broadcast %broadcast_in_dim3A_102 : vector<4x1xi32> to vector<4x256xi32>
    %eq3A_155 = arith.cmpi eq, %iota3A, %eq3A_154 : vector<4x256xi32>
    %jit3A_156 = arith.constant 0.000000e+00 : f32
    %broadcast_in_dim3A_157 = vector.broadcast %jit3A_156 : f32 to vector<4x256xf32>
    %select_n3A_158 = arith.select %eq3A_155, %select_n3A_132, %broadcast_in_dim3A_157 : vector<4x256xi1>, vector<4x256xf32>
    %reduce_sum3A_159 = arith.constant dense<0.000000e+00> : vector<4xf32>
    %reduce_sum3A_160 = vector.multi_reduction <add>, %select_n3A_158, %reduce_sum3A_159 [1] : vector<4x256xf32> to vector<4xf32>
    %broadcast_in_dim3A_161 = vector.shape_cast %reduce_sum3A_160 : vector<4xf32> to vector<4x1xf32>
    %div3A_162 = arith.divf %broadcast_in_dim3A_161, %broadcast_in_dim3A_135 : vector<4x1xf32>
    %eq3A_163 = vector.broadcast %broadcast_in_dim3A_118 : vector<4x1xi32> to vector<4x256xi32>
    %eq3A_164 = arith.cmpi eq, %iota3A, %eq3A_163 : vector<4x256xi32>
    %jit3A_165 = arith.constant 0.000000e+00 : f32
    %broadcast_in_dim3A_166 = vector.broadcast %jit3A_165 : f32 to vector<4x256xf32>
    %select_n3A_167 = arith.select %eq3A_164, %select_n3A_132, %broadcast_in_dim3A_166 : vector<4x256xi1>, vector<4x256xf32>
    %reduce_sum3A_168 = arith.constant dense<0.000000e+00> : vector<4xf32>
    %reduce_sum3A_169 = vector.multi_reduction <add>, %select_n3A_167, %reduce_sum3A_168 [1] : vector<4x256xf32> to vector<4xf32>
    %broadcast_in_dim3A_170 = vector.shape_cast %reduce_sum3A_169 : vector<4xf32> to vector<4x1xf32>
    %div3A_171 = arith.divf %broadcast_in_dim3A_170, %broadcast_in_dim3A_135 : vector<4x1xf32>
    %iota3A_172 = tpu.iota {dimensions = array<i32: 0>} : vector<256x1xi32>
    %iota3A_173 = tpu.iota {dimensions = array<i32: 1>} : vector<8x128xi32>
    %slice3A_174 = vector.extract_strided_slice %broadcast_in_dim3A_70 {offsets = [0, 0], sizes = [1, 1], strides = [1, 1]} : vector<4x1xi32> to vector<1x1xi32>
    %eq3A_175 = vector.broadcast %slice3A_174 : vector<1x1xi32> to vector<256x1xi32>
    %eq3A_176 = arith.cmpi eq, %iota3A_172, %eq3A_175 : vector<256x1xi32>
    %slice3A_177 = vector.extract_strided_slice %div3A_144 {offsets = [0, 0], sizes = [1, 1], strides = [1, 1]} : vector<4x1xf32> to vector<1x1xf32>
    %jit3A_178 = arith.constant 0.000000e+00 : f32
    %broadcast_in_dim3A_179 = vector.shape_cast %slice3A_177 : vector<1x1xf32> to vector<1x1xf32>
    %broadcast_in_dim3A_180 = vector.broadcast %broadcast_in_dim3A_179 : vector<1x1xf32> to vector<256x1xf32>
    %broadcast_in_dim3A_181 = vector.broadcast %jit3A_178 : f32 to vector<256x1xf32>
    %select_n3A_182 = arith.select %eq3A_176, %broadcast_in_dim3A_180, %broadcast_in_dim3A_181 : vector<256x1xi1>, vector<256x1xf32>
    %slice3A_183 = vector.extract_strided_slice %broadcast_in_dim3A_86 {offsets = [0, 0], sizes = [1, 1], strides = [1, 1]} : vector<4x1xi32> to vector<1x1xi32>
    %eq3A_184 = vector.broadcast %slice3A_183 : vector<1x1xi32> to vector<256x1xi32>
    %eq3A_185 = arith.cmpi eq, %iota3A_172, %eq3A_184 : vector<256x1xi32>
    %slice3A_186 = vector.extract_strided_slice %div3A_153 {offsets = [0, 0], sizes = [1, 1], strides = [1, 1]} : vector<4x1xf32> to vector<1x1xf32>
    %jit3A_187 = arith.constant 0.000000e+00 : f32
    %broadcast_in_dim3A_188 = vector.shape_cast %slice3A_186 : vector<1x1xf32> to vector<1x1xf32>
    %broadcast_in_dim3A_189 = vector.broadcast %broadcast_in_dim3A_188 : vector<1x1xf32> to vector<256x1xf32>
    %broadcast_in_dim3A_190 = vector.broadcast %jit3A_187 : f32 to vector<256x1xf32>
    %select_n3A_191 = arith.select %eq3A_185, %broadcast_in_dim3A_189, %broadcast_in_dim3A_190 : vector<256x1xi1>, vector<256x1xf32>
    %add3A = arith.addf %select_n3A_182, %select_n3A_191 : vector<256x1xf32>
    %slice3A_192 = vector.extract_strided_slice %broadcast_in_dim3A_102 {offsets = [0, 0], sizes = [1, 1], strides = [1, 1]} : vector<4x1xi32> to vector<1x1xi32>
    %eq3A_193 = vector.broadcast %slice3A_192 : vector<1x1xi32> to vector<256x1xi32>
    %eq3A_194 = arith.cmpi eq, %iota3A_172, %eq3A_193 : vector<256x1xi32>
    %slice3A_195 = vector.extract_strided_slice %div3A_162 {offsets = [0, 0], sizes = [1, 1], strides = [1, 1]} : vector<4x1xf32> to vector<1x1xf32>
    %jit3A_196 = arith.constant 0.000000e+00 : f32
    %broadcast_in_dim3A_197 = vector.shape_cast %slice3A_195 : vector<1x1xf32> to vector<1x1xf32>
    %broadcast_in_dim3A_198 = vector.broadcast %broadcast_in_dim3A_197 : vector<1x1xf32> to vector<256x1xf32>
    %broadcast_in_dim3A_199 = vector.broadcast %jit3A_196 : f32 to vector<256x1xf32>
    %select_n3A_200 = arith.select %eq3A_194, %broadcast_in_dim3A_198, %broadcast_in_dim3A_199 : vector<256x1xi1>, vector<256x1xf32>
    %add3A_201 = arith.addf %add3A, %select_n3A_200 : vector<256x1xf32>
    %slice3A_202 = vector.extract_strided_slice %broadcast_in_dim3A_118 {offsets = [0, 0], sizes = [1, 1], strides = [1, 1]} : vector<4x1xi32> to vector<1x1xi32>
    %eq3A_203 = vector.broadcast %slice3A_202 : vector<1x1xi32> to vector<256x1xi32>
    %eq3A_204 = arith.cmpi eq, %iota3A_172, %eq3A_203 : vector<256x1xi32>
    %slice3A_205 = vector.extract_strided_slice %div3A_171 {offsets = [0, 0], sizes = [1, 1], strides = [1, 1]} : vector<4x1xf32> to vector<1x1xf32>
    %jit3A_206 = arith.constant 0.000000e+00 : f32
    %broadcast_in_dim3A_207 = vector.shape_cast %slice3A_205 : vector<1x1xf32> to vector<1x1xf32>
    %broadcast_in_dim3A_208 = vector.broadcast %broadcast_in_dim3A_207 : vector<1x1xf32> to vector<256x1xf32>
    %broadcast_in_dim3A_209 = vector.broadcast %jit3A_206 : f32 to vector<256x1xf32>
    %select_n3A_210 = arith.select %eq3A_204, %broadcast_in_dim3A_208, %broadcast_in_dim3A_209 : vector<256x1xi1>, vector<256x1xf32>
    %add3A_211 = arith.addf %add3A_201, %select_n3A_210 : vector<256x1xf32>
    %slice3A_212 = vector.extract_strided_slice %get3A_2 {offsets = [0, 0, 0], sizes = [1, 256, 1024], strides = [1, 1, 1]} : vector<4x256x1024xf32> to vector<1x256x1024xf32>
    %squeeze3A_213 = vector.shape_cast %slice3A_212 : vector<1x256x1024xf32> to vector<256x1024xf32>
    %mul3A_214 = vector.broadcast %add3A_211 : vector<256x1xf32> to vector<256x1024xf32>
    %mul3A_215 = arith.mulf %squeeze3A_213, %mul3A_214 : vector<256x1024xf32>
    %reduce_sum3A_216 = arith.constant dense<0.000000e+00> : vector<1024xf32>
    %reduce_sum3A_217 = vector.multi_reduction <add>, %mul3A_215, %reduce_sum3A_216 [0] : vector<256x1024xf32> to vector<1024xf32>
    %swap3A = arith.constant 0 : index
    %swap3A_218 = arith.constant 0 : index
    %swap3A_219 = arith.constant 0 : index
    %swap3A_220 = vector.load %arg4[%swap3A, %swap3A_218, %swap3A_219] : memref<4x1x1024xf32, #tpu.memory_space<vmem>>, vector<1x1x1024xf32>
    %swap3A_221 = vector.shape_cast %swap3A_220 : vector<1x1x1024xf32> to vector<1024xf32>
    %swap3A_222 = vector.shape_cast %reduce_sum3A_217 : vector<1024xf32> to vector<1x1x1024xf32>
    tpu.vector_store %arg4[%swap3A, %swap3A_218, %swap3A_219], %swap3A_222 {strides = array<i32>} : memref<4x1x1024xf32, #tpu.memory_space<vmem>>, vector<1x1x1024xf32>,
    %eq3A_223 = arith.constant 0 : i32
    %eq3A_224 = vector.broadcast %eq3A_223 : i32 to vector<8x128xi32>
    %eq3A_225 = arith.cmpi eq, %iota3A_173, %eq3A_224 : vector<8x128xi32>
    %slice3A_226 = vector.extract_strided_slice %broadcast_in_dim3A_70 {offsets = [0, 0], sizes = [1, 1], strides = [1, 1]} : vector<4x1xi32> to vector<1x1xi32>
    %broadcast_in_dim3A_227 = vector.shape_cast %slice3A_226 : vector<1x1xi32> to vector<1x1xi32>
    %broadcast_in_dim3A_228 = vector.broadcast %broadcast_in_dim3A_227 : vector<1x1xi32> to vector<8x128xi32>
    %eq3A_229 = arith.constant 1 : i32
    %eq3A_230 = vector.broadcast %eq3A_229 : i32 to vector<8x128xi32>
    %eq3A_231 = arith.cmpi eq, %iota3A_173, %eq3A_230 : vector<8x128xi32>
    %slice3A_232 = vector.extract_strided_slice %broadcast_in_dim3A_86 {offsets = [0, 0], sizes = [1, 1], strides = [1, 1]} : vector<4x1xi32> to vector<1x1xi32>
    %broadcast_in_dim3A_233 = vector.shape_cast %slice3A_232 : vector<1x1xi32> to vector<1x1xi32>
    %broadcast_in_dim3A_234 = vector.broadcast %broadcast_in_dim3A_233 : vector<1x1xi32> to vector<8x128xi32>
    %eq3A_235 = arith.constant 2 : i32
    %eq3A_236 = vector.broadcast %eq3A_235 : i32 to vector<8x128xi32>
    %eq3A_237 = arith.cmpi eq, %iota3A_173, %eq3A_236 : vector<8x128xi32>
    %slice3A_238 = vector.extract_strided_slice %broadcast_in_dim3A_102 {offsets = [0, 0], sizes = [1, 1], strides = [1, 1]} : vector<4x1xi32> to vector<1x1xi32>
    %broadcast_in_dim3A_239 = vector.shape_cast %slice3A_238 : vector<1x1xi32> to vector<1x1xi32>
    %broadcast_in_dim3A_240 = vector.broadcast %broadcast_in_dim3A_239 : vector<1x1xi32> to vector<8x128xi32>
    %eq3A_241 = arith.constant 3 : i32
    %eq3A_242 = vector.broadcast %eq3A_241 : i32 to vector<8x128xi32>
    %eq3A_243 = arith.cmpi eq, %iota3A_173, %eq3A_242 : vector<8x128xi32>
    %slice3A_244 = vector.extract_strided_slice %broadcast_in_dim3A_118 {offsets = [0, 0], sizes = [1, 1], strides = [1, 1]} : vector<4x1xi32> to vector<1x1xi32>
    %broadcast_in_dim3A_245 = vector.shape_cast %slice3A_244 : vector<1x1xi32> to vector<1x1xi32>
    %broadcast_in_dim3A_246 = vector.broadcast %broadcast_in_dim3A_245 : vector<1x1xi32> to vector<8x128xi32>
    %jit3A_247 = arith.constant 0 : i32
    %broadcast_in_dim3A_248 = vector.broadcast %jit3A_247 : i32 to vector<8x128xi32>
    %select_n3A_249 = arith.select %eq3A_243, %broadcast_in_dim3A_246, %broadcast_in_dim3A_248 : vector<8x128xi1>, vector<8x128xi32>
    %select_n3A_250 = arith.select %eq3A_237, %broadcast_in_dim3A_240, %select_n3A_249 : vector<8x128xi1>, vector<8x128xi32>
    %select_n3A_251 = arith.select %eq3A_231, %broadcast_in_dim3A_234, %select_n3A_250 : vector<8x128xi1>, vector<8x128xi32>
    %select_n3A_252 = arith.select %eq3A_225, %broadcast_in_dim3A_228, %select_n3A_251 : vector<8x128xi1>, vector<8x128xi32>
    %swap3A_253 = arith.constant 0 : index
    %swap3A_254 = arith.constant 0 : index
    %swap3A_255 = arith.constant 0 : index
    %swap3A_256 = vector.load %arg5[%swap3A_253, %swap3A_254, %swap3A_255] : memref<4x8x128xi32, #tpu.memory_space<vmem>>, vector<1x8x128xi32>
    %swap3A_257 = vector.shape_cast %swap3A_256 : vector<1x8x128xi32> to vector<8x128xi32>
    %swap3A_258 = vector.shape_cast %select_n3A_252 : vector<8x128xi32> to vector<1x8x128xi32>
    tpu.vector_store %arg5[%swap3A_253, %swap3A_254, %swap3A_255], %swap3A_258 {strides = array<i32>} : memref<4x8x128xi32, #tpu.memory_space<vmem>>, vector<1x8x128xi32>,
    %slice3A_259 = vector.extract_strided_slice %broadcast_in_dim3A_70 {offsets = [1, 0], sizes = [1, 1], strides = [1, 1]} : vector<4x1xi32> to vector<1x1xi32>
    %eq3A_260 = vector.broadcast %slice3A_259 : vector<1x1xi32> to vector<256x1xi32>
    %eq3A_261 = arith.cmpi eq, %iota3A_172, %eq3A_260 : vector<256x1xi32>
    %slice3A_262 = vector.extract_strided_slice %div3A_144 {offsets = [1, 0], sizes = [1, 1], strides = [1, 1]} : vector<4x1xf32> to vector<1x1xf32>
    %jit3A_263 = arith.constant 0.000000e+00 : f32
    %broadcast_in_dim3A_264 = vector.shape_cast %slice3A_262 : vector<1x1xf32> to vector<1x1xf32>
    %broadcast_in_dim3A_265 = vector.broadcast %broadcast_in_dim3A_264 : vector<1x1xf32> to vector<256x1xf32>
    %broadcast_in_dim3A_266 = vector.broadcast %jit3A_263 : f32 to vector<256x1xf32>
    %select_n3A_267 = arith.select %eq3A_261, %broadcast_in_dim3A_265, %broadcast_in_dim3A_266 : vector<256x1xi1>, vector<256x1xf32>
    %slice3A_268 = vector.extract_strided_slice %broadcast_in_dim3A_86 {offsets = [1, 0], sizes = [1, 1], strides = [1, 1]} : vector<4x1xi32> to vector<1x1xi32>
    %eq3A_269 = vector.broadcast %slice3A_268 : vector<1x1xi32> to vector<256x1xi32>
    %eq3A_270 = arith.cmpi eq, %iota3A_172, %eq3A_269 : vector<256x1xi32>
    %slice3A_271 = vector.extract_strided_slice %div3A_153 {offsets = [1, 0], sizes = [1, 1], strides = [1, 1]} : vector<4x1xf32> to vector<1x1xf32>
    %jit3A_272 = arith.constant 0.000000e+00 : f32
    %broadcast_in_dim3A_273 = vector.shape_cast %slice3A_271 : vector<1x1xf32> to vector<1x1xf32>
    %broadcast_in_dim3A_274 = vector.broadcast %broadcast_in_dim3A_273 : vector<1x1xf32> to vector<256x1xf32>
    %broadcast_in_dim3A_275 = vector.broadcast %jit3A_272 : f32 to vector<256x1xf32>
    %select_n3A_276 = arith.select %eq3A_270, %broadcast_in_dim3A_274, %broadcast_in_dim3A_275 : vector<256x1xi1>, vector<256x1xf32>
    %add3A_277 = arith.addf %select_n3A_267, %select_n3A_276 : vector<256x1xf32>
    %slice3A_278 = vector.extract_strided_slice %broadcast_in_dim3A_102 {offsets = [1, 0], sizes = [1, 1], strides = [1, 1]} : vector<4x1xi32> to vector<1x1xi32>
    %eq3A_279 = vector.broadcast %slice3A_278 : vector<1x1xi32> to vector<256x1xi32>
    %eq3A_280 = arith.cmpi eq, %iota3A_172, %eq3A_279 : vector<256x1xi32>
    %slice3A_281 = vector.extract_strided_slice %div3A_162 {offsets = [1, 0], sizes = [1, 1], strides = [1, 1]} : vector<4x1xf32> to vector<1x1xf32>
    %jit3A_282 = arith.constant 0.000000e+00 : f32
    %broadcast_in_dim3A_283 = vector.shape_cast %slice3A_281 : vector<1x1xf32> to vector<1x1xf32>
    %broadcast_in_dim3A_284 = vector.broadcast %broadcast_in_dim3A_283 : vector<1x1xf32> to vector<256x1xf32>
    %broadcast_in_dim3A_285 = vector.broadcast %jit3A_282 : f32 to vector<256x1xf32>
    %select_n3A_286 = arith.select %eq3A_280, %broadcast_in_dim3A_284, %broadcast_in_dim3A_285 : vector<256x1xi1>, vector<256x1xf32>
    %add3A_287 = arith.addf %add3A_277, %select_n3A_286 : vector<256x1xf32>
    %slice3A_288 = vector.extract_strided_slice %broadcast_in_dim3A_118 {offsets = [1, 0], sizes = [1, 1], strides = [1, 1]} : vector<4x1xi32> to vector<1x1xi32>
    %eq3A_289 = vector.broadcast %slice3A_288 : vector<1x1xi32> to vector<256x1xi32>
    %eq3A_290 = arith.cmpi eq, %iota3A_172, %eq3A_289 : vector<256x1xi32>
    %slice3A_291 = vector.extract_strided_slice %div3A_171 {offsets = [1, 0], sizes = [1, 1], strides = [1, 1]} : vector<4x1xf32> to vector<1x1xf32>
    %jit3A_292 = arith.constant 0.000000e+00 : f32
    %broadcast_in_dim3A_293 = vector.shape_cast %slice3A_291 : vector<1x1xf32> to vector<1x1xf32>
    %broadcast_in_dim3A_294 = vector.broadcast %broadcast_in_dim3A_293 : vector<1x1xf32> to vector<256x1xf32>
    %broadcast_in_dim3A_295 = vector.broadcast %jit3A_292 : f32 to vector<256x1xf32>
    %select_n3A_296 = arith.select %eq3A_290, %broadcast_in_dim3A_294, %broadcast_in_dim3A_295 : vector<256x1xi1>, vector<256x1xf32>
    %add3A_297 = arith.addf %add3A_287, %select_n3A_296 : vector<256x1xf32>
    %slice3A_298 = vector.extract_strided_slice %get3A_2 {offsets = [1, 0, 0], sizes = [1, 256, 1024], strides = [1, 1, 1]} : vector<4x256x1024xf32> to vector<1x256x1024xf32>
    %squeeze3A_299 = vector.shape_cast %slice3A_298 : vector<1x256x1024xf32> to vector<256x1024xf32>
    %mul3A_300 = vector.broadcast %add3A_297 : vector<256x1xf32> to vector<256x1024xf32>
    %mul3A_301 = arith.mulf %squeeze3A_299, %mul3A_300 : vector<256x1024xf32>
    %reduce_sum3A_302 = arith.constant dense<0.000000e+00> : vector<1024xf32>
    %reduce_sum3A_303 = vector.multi_reduction <add>, %mul3A_301, %reduce_sum3A_302 [0] : vector<256x1024xf32> to vector<1024xf32>
    %swap3A_304 = arith.constant 1 : index
    %swap3A_305 = arith.constant 0 : index
    %swap3A_306 = arith.constant 0 : index
    %swap3A_307 = vector.load %arg4[%swap3A_304, %swap3A_305, %swap3A_306] : memref<4x1x1024xf32, #tpu.memory_space<vmem>>, vector<1x1x1024xf32>
    %swap3A_308 = vector.shape_cast %swap3A_307 : vector<1x1x1024xf32> to vector<1024xf32>
    %swap3A_309 = vector.shape_cast %reduce_sum3A_303 : vector<1024xf32> to vector<1x1x1024xf32>
    tpu.vector_store %arg4[%swap3A_304, %swap3A_305, %swap3A_306], %swap3A_309 {strides = array<i32>} : memref<4x1x1024xf32, #tpu.memory_space<vmem>>, vector<1x1x1024xf32>,
    %eq3A_310 = arith.constant 0 : i32
    %eq3A_311 = vector.broadcast %eq3A_310 : i32 to vector<8x128xi32>
    %eq3A_312 = arith.cmpi eq, %iota3A_173, %eq3A_311 : vector<8x128xi32>
    %slice3A_313 = vector.extract_strided_slice %broadcast_in_dim3A_70 {offsets = [1, 0], sizes = [1, 1], strides = [1, 1]} : vector<4x1xi32> to vector<1x1xi32>
    %broadcast_in_dim3A_314 = vector.shape_cast %slice3A_313 : vector<1x1xi32> to vector<1x1xi32>
    %broadcast_in_dim3A_315 = vector.broadcast %broadcast_in_dim3A_314 : vector<1x1xi32> to vector<8x128xi32>
    %eq3A_316 = arith.constant 1 : i32
    %eq3A_317 = vector.broadcast %eq3A_316 : i32 to vector<8x128xi32>
    %eq3A_318 = arith.cmpi eq, %iota3A_173, %eq3A_317 : vector<8x128xi32>
    %slice3A_319 = vector.extract_strided_slice %broadcast_in_dim3A_86 {offsets = [1, 0], sizes = [1, 1], strides = [1, 1]} : vector<4x1xi32> to vector<1x1xi32>
    %broadcast_in_dim3A_320 = vector.shape_cast %slice3A_319 : vector<1x1xi32> to vector<1x1xi32>
    %broadcast_in_dim3A_321 = vector.broadcast %broadcast_in_dim3A_320 : vector<1x1xi32> to vector<8x128xi32>
    %eq3A_322 = arith.constant 2 : i32
    %eq3A_323 = vector.broadcast %eq3A_322 : i32 to vector<8x128xi32>
    %eq3A_324 = arith.cmpi eq, %iota3A_173, %eq3A_323 : vector<8x128xi32>
    %slice3A_325 = vector.extract_strided_slice %broadcast_in_dim3A_102 {offsets = [1, 0], sizes = [1, 1], strides = [1, 1]} : vector<4x1xi32> to vector<1x1xi32>
    %broadcast_in_dim3A_326 = vector.shape_cast %slice3A_325 : vector<1x1xi32> to vector<1x1xi32>
    %broadcast_in_dim3A_327 = vector.broadcast %broadcast_in_dim3A_326 : vector<1x1xi32> to vector<8x128xi32>
    %eq3A_328 = arith.constant 3 : i32
    %eq3A_329 = vector.broadcast %eq3A_328 : i32 to vector<8x128xi32>
    %eq3A_330 = arith.cmpi eq, %iota3A_173, %eq3A_329 : vector<8x128xi32>
    %slice3A_331 = vector.extract_strided_slice %broadcast_in_dim3A_118 {offsets = [1, 0], sizes = [1, 1], strides = [1, 1]} : vector<4x1xi32> to vector<1x1xi32>
    %broadcast_in_dim3A_332 = vector.shape_cast %slice3A_331 : vector<1x1xi32> to vector<1x1xi32>
    %broadcast_in_dim3A_333 = vector.broadcast %broadcast_in_dim3A_332 : vector<1x1xi32> to vector<8x128xi32>
    %jit3A_334 = arith.constant 0 : i32
    %broadcast_in_dim3A_335 = vector.broadcast %jit3A_334 : i32 to vector<8x128xi32>
    %select_n3A_336 = arith.select %eq3A_330, %broadcast_in_dim3A_333, %broadcast_in_dim3A_335 : vector<8x128xi1>, vector<8x128xi32>
    %select_n3A_337 = arith.select %eq3A_324, %broadcast_in_dim3A_327, %select_n3A_336 : vector<8x128xi1>, vector<8x128xi32>
    %select_n3A_338 = arith.select %eq3A_318, %broadcast_in_dim3A_321, %select_n3A_337 : vector<8x128xi1>, vector<8x128xi32>
    %select_n3A_339 = arith.select %eq3A_312, %broadcast_in_dim3A_315, %select_n3A_338 : vector<8x128xi1>, vector<8x128xi32>
    %swap3A_340 = arith.constant 1 : index
    %swap3A_341 = arith.constant 0 : index
    %swap3A_342 = arith.constant 0 : index
    %swap3A_343 = vector.load %arg5[%swap3A_340, %swap3A_341, %swap3A_342] : memref<4x8x128xi32, #tpu.memory_space<vmem>>, vector<1x8x128xi32>
    %swap3A_344 = vector.shape_cast %swap3A_343 : vector<1x8x128xi32> to vector<8x128xi32>
    %swap3A_345 = vector.shape_cast %select_n3A_339 : vector<8x128xi32> to vector<1x8x128xi32>
    tpu.vector_store %arg5[%swap3A_340, %swap3A_341, %swap3A_342], %swap3A_345 {strides = array<i32>} : memref<4x8x128xi32, #tpu.memory_space<vmem>>, vector<1x8x128xi32>,
    %slice3A_346 = vector.extract_strided_slice %broadcast_in_dim3A_70 {offsets = [2, 0], sizes = [1, 1], strides = [1, 1]} : vector<4x1xi32> to vector<1x1xi32>
    %eq3A_347 = vector.broadcast %slice3A_346 : vector<1x1xi32> to vector<256x1xi32>
    %eq3A_348 = arith.cmpi eq, %iota3A_172, %eq3A_347 : vector<256x1xi32>
    %slice3A_349 = vector.extract_strided_slice %div3A_144 {offsets = [2, 0], sizes = [1, 1], strides = [1, 1]} : vector<4x1xf32> to vector<1x1xf32>
    %jit3A_350 = arith.constant 0.000000e+00 : f32
    %broadcast_in_dim3A_351 = vector.shape_cast %slice3A_349 : vector<1x1xf32> to vector<1x1xf32>
    %broadcast_in_dim3A_352 = vector.broadcast %broadcast_in_dim3A_351 : vector<1x1xf32> to vector<256x1xf32>
    %broadcast_in_dim3A_353 = vector.broadcast %jit3A_350 : f32 to vector<256x1xf32>
    %select_n3A_354 = arith.select %eq3A_348, %broadcast_in_dim3A_352, %broadcast_in_dim3A_353 : vector<256x1xi1>, vector<256x1xf32>
    %slice3A_355 = vector.extract_strided_slice %broadcast_in_dim3A_86 {offsets = [2, 0], sizes = [1, 1], strides = [1, 1]} : vector<4x1xi32> to vector<1x1xi32>
    %eq3A_356 = vector.broadcast %slice3A_355 : vector<1x1xi32> to vector<256x1xi32>
    %eq3A_357 = arith.cmpi eq, %iota3A_172, %eq3A_356 : vector<256x1xi32>
    %slice3A_358 = vector.extract_strided_slice %div3A_153 {offsets = [2, 0], sizes = [1, 1], strides = [1, 1]} : vector<4x1xf32> to vector<1x1xf32>
    %jit3A_359 = arith.constant 0.000000e+00 : f32
    %broadcast_in_dim3A_360 = vector.shape_cast %slice3A_358 : vector<1x1xf32> to vector<1x1xf32>
    %broadcast_in_dim3A_361 = vector.broadcast %broadcast_in_dim3A_360 : vector<1x1xf32> to vector<256x1xf32>
    %broadcast_in_dim3A_362 = vector.broadcast %jit3A_359 : f32 to vector<256x1xf32>
    %select_n3A_363 = arith.select %eq3A_357, %broadcast_in_dim3A_361, %broadcast_in_dim3A_362 : vector<256x1xi1>, vector<256x1xf32>
    %add3A_364 = arith.addf %select_n3A_354, %select_n3A_363 : vector<256x1xf32>
    %slice3A_365 = vector.extract_strided_slice %broadcast_in_dim3A_102 {offsets = [2, 0], sizes = [1, 1], strides = [1, 1]} : vector<4x1xi32> to vector<1x1xi32>
    %eq3A_366 = vector.broadcast %slice3A_365 : vector<1x1xi32> to vector<256x1xi32>
    %eq3A_367 = arith.cmpi eq, %iota3A_172, %eq3A_366 : vector<256x1xi32>
    %slice3A_368 = vector.extract_strided_slice %div3A_162 {offsets = [2, 0], sizes = [1, 1], strides = [1, 1]} : vector<4x1xf32> to vector<1x1xf32>
    %jit3A_369 = arith.constant 0.000000e+00 : f32
    %broadcast_in_dim3A_370 = vector.shape_cast %slice3A_368 : vector<1x1xf32> to vector<1x1xf32>
    %broadcast_in_dim3A_371 = vector.broadcast %broadcast_in_dim3A_370 : vector<1x1xf32> to vector<256x1xf32>
    %broadcast_in_dim3A_372 = vector.broadcast %jit3A_369 : f32 to vector<256x1xf32>
    %select_n3A_373 = arith.select %eq3A_367, %broadcast_in_dim3A_371, %broadcast_in_dim3A_372 : vector<256x1xi1>, vector<256x1xf32>
    %add3A_374 = arith.addf %add3A_364, %select_n3A_373 : vector<256x1xf32>
    %slice3A_375 = vector.extract_strided_slice %broadcast_in_dim3A_118 {offsets = [2, 0], sizes = [1, 1], strides = [1, 1]} : vector<4x1xi32> to vector<1x1xi32>
    %eq3A_376 = vector.broadcast %slice3A_375 : vector<1x1xi32> to vector<256x1xi32>
    %eq3A_377 = arith.cmpi eq, %iota3A_172, %eq3A_376 : vector<256x1xi32>
    %slice3A_378 = vector.extract_strided_slice %div3A_171 {offsets = [2, 0], sizes = [1, 1], strides = [1, 1]} : vector<4x1xf32> to vector<1x1xf32>
    %jit3A_379 = arith.constant 0.000000e+00 : f32
    %broadcast_in_dim3A_380 = vector.shape_cast %slice3A_378 : vector<1x1xf32> to vector<1x1xf32>
    %broadcast_in_dim3A_381 = vector.broadcast %broadcast_in_dim3A_380 : vector<1x1xf32> to vector<256x1xf32>
    %broadcast_in_dim3A_382 = vector.broadcast %jit3A_379 : f32 to vector<256x1xf32>
    %select_n3A_383 = arith.select %eq3A_377, %broadcast_in_dim3A_381, %broadcast_in_dim3A_382 : vector<256x1xi1>, vector<256x1xf32>
    %add3A_384 = arith.addf %add3A_374, %select_n3A_383 : vector<256x1xf32>
    %slice3A_385 = vector.extract_strided_slice %get3A_2 {offsets = [2, 0, 0], sizes = [1, 256, 1024], strides = [1, 1, 1]} : vector<4x256x1024xf32> to vector<1x256x1024xf32>
    %squeeze3A_386 = vector.shape_cast %slice3A_385 : vector<1x256x1024xf32> to vector<256x1024xf32>
    %mul3A_387 = vector.broadcast %add3A_384 : vector<256x1xf32> to vector<256x1024xf32>
    %mul3A_388 = arith.mulf %squeeze3A_386, %mul3A_387 : vector<256x1024xf32>
    %reduce_sum3A_389 = arith.constant dense<0.000000e+00> : vector<1024xf32>
    %reduce_sum3A_390 = vector.multi_reduction <add>, %mul3A_388, %reduce_sum3A_389 [0] : vector<256x1024xf32> to vector<1024xf32>
    %swap3A_391 = arith.constant 2 : index
    %swap3A_392 = arith.constant 0 : index
    %swap3A_393 = arith.constant 0 : index
    %swap3A_394 = vector.load %arg4[%swap3A_391, %swap3A_392, %swap3A_393] : memref<4x1x1024xf32, #tpu.memory_space<vmem>>, vector<1x1x1024xf32>
    %swap3A_395 = vector.shape_cast %swap3A_394 : vector<1x1x1024xf32> to vector<1024xf32>
    %swap3A_396 = vector.shape_cast %reduce_sum3A_390 : vector<1024xf32> to vector<1x1x1024xf32>
    tpu.vector_store %arg4[%swap3A_391, %swap3A_392, %swap3A_393], %swap3A_396 {strides = array<i32>} : memref<4x1x1024xf32, #tpu.memory_space<vmem>>, vector<1x1x1024xf32>,
    %eq3A_397 = arith.constant 0 : i32
    %eq3A_398 = vector.broadcast %eq3A_397 : i32 to vector<8x128xi32>
    %eq3A_399 = arith.cmpi eq, %iota3A_173, %eq3A_398 : vector<8x128xi32>
    %slice3A_400 = vector.extract_strided_slice %broadcast_in_dim3A_70 {offsets = [2, 0], sizes = [1, 1], strides = [1, 1]} : vector<4x1xi32> to vector<1x1xi32>
    %broadcast_in_dim3A_401 = vector.shape_cast %slice3A_400 : vector<1x1xi32> to vector<1x1xi32>
    %broadcast_in_dim3A_402 = vector.broadcast %broadcast_in_dim3A_401 : vector<1x1xi32> to vector<8x128xi32>
    %eq3A_403 = arith.constant 1 : i32
    %eq3A_404 = vector.broadcast %eq3A_403 : i32 to vector<8x128xi32>
    %eq3A_405 = arith.cmpi eq, %iota3A_173, %eq3A_404 : vector<8x128xi32>
    %slice3A_406 = vector.extract_strided_slice %broadcast_in_dim3A_86 {offsets = [2, 0], sizes = [1, 1], strides = [1, 1]} : vector<4x1xi32> to vector<1x1xi32>
    %broadcast_in_dim3A_407 = vector.shape_cast %slice3A_406 : vector<1x1xi32> to vector<1x1xi32>
    %broadcast_in_dim3A_408 = vector.broadcast %broadcast_in_dim3A_407 : vector<1x1xi32> to vector<8x128xi32>
    %eq3A_409 = arith.constant 2 : i32
    %eq3A_410 = vector.broadcast %eq3A_409 : i32 to vector<8x128xi32>
    %eq3A_411 = arith.cmpi eq, %iota3A_173, %eq3A_410 : vector<8x128xi32>
    %slice3A_412 = vector.extract_strided_slice %broadcast_in_dim3A_102 {offsets = [2, 0], sizes = [1, 1], strides = [1, 1]} : vector<4x1xi32> to vector<1x1xi32>
    %broadcast_in_dim3A_413 = vector.shape_cast %slice3A_412 : vector<1x1xi32> to vector<1x1xi32>
    %broadcast_in_dim3A_414 = vector.broadcast %broadcast_in_dim3A_413 : vector<1x1xi32> to vector<8x128xi32>
    %eq3A_415 = arith.constant 3 : i32
    %eq3A_416 = vector.broadcast %eq3A_415 : i32 to vector<8x128xi32>
    %eq3A_417 = arith.cmpi eq, %iota3A_173, %eq3A_416 : vector<8x128xi32>
    %slice3A_418 = vector.extract_strided_slice %broadcast_in_dim3A_118 {offsets = [2, 0], sizes = [1, 1], strides = [1, 1]} : vector<4x1xi32> to vector<1x1xi32>
    %broadcast_in_dim3A_419 = vector.shape_cast %slice3A_418 : vector<1x1xi32> to vector<1x1xi32>
    %broadcast_in_dim3A_420 = vector.broadcast %broadcast_in_dim3A_419 : vector<1x1xi32> to vector<8x128xi32>
    %jit3A_421 = arith.constant 0 : i32
    %broadcast_in_dim3A_422 = vector.broadcast %jit3A_421 : i32 to vector<8x128xi32>
    %select_n3A_423 = arith.select %eq3A_417, %broadcast_in_dim3A_420, %broadcast_in_dim3A_422 : vector<8x128xi1>, vector<8x128xi32>
    %select_n3A_424 = arith.select %eq3A_411, %broadcast_in_dim3A_414, %select_n3A_423 : vector<8x128xi1>, vector<8x128xi32>
    %select_n3A_425 = arith.select %eq3A_405, %broadcast_in_dim3A_408, %select_n3A_424 : vector<8x128xi1>, vector<8x128xi32>
    %select_n3A_426 = arith.select %eq3A_399, %broadcast_in_dim3A_402, %select_n3A_425 : vector<8x128xi1>, vector<8x128xi32>
    %swap3A_427 = arith.constant 2 : index
    %swap3A_428 = arith.constant 0 : index
    %swap3A_429 = arith.constant 0 : index
    %swap3A_430 = vector.load %arg5[%swap3A_427, %swap3A_428, %swap3A_429] : memref<4x8x128xi32, #tpu.memory_space<vmem>>, vector<1x8x128xi32>
    %swap3A_431 = vector.shape_cast %swap3A_430 : vector<1x8x128xi32> to vector<8x128xi32>
    %swap3A_432 = vector.shape_cast %select_n3A_426 : vector<8x128xi32> to vector<1x8x128xi32>
    tpu.vector_store %arg5[%swap3A_427, %swap3A_428, %swap3A_429], %swap3A_432 {strides = array<i32>} : memref<4x8x128xi32, #tpu.memory_space<vmem>>, vector<1x8x128xi32>,
    %slice3A_433 = vector.extract_strided_slice %broadcast_in_dim3A_70 {offsets = [3, 0], sizes = [1, 1], strides = [1, 1]} : vector<4x1xi32> to vector<1x1xi32>
    %eq3A_434 = vector.broadcast %slice3A_433 : vector<1x1xi32> to vector<256x1xi32>
    %eq3A_435 = arith.cmpi eq, %iota3A_172, %eq3A_434 : vector<256x1xi32>
    %slice3A_436 = vector.extract_strided_slice %div3A_144 {offsets = [3, 0], sizes = [1, 1], strides = [1, 1]} : vector<4x1xf32> to vector<1x1xf32>
    %jit3A_437 = arith.constant 0.000000e+00 : f32
    %broadcast_in_dim3A_438 = vector.shape_cast %slice3A_436 : vector<1x1xf32> to vector<1x1xf32>
    %broadcast_in_dim3A_439 = vector.broadcast %broadcast_in_dim3A_438 : vector<1x1xf32> to vector<256x1xf32>
    %broadcast_in_dim3A_440 = vector.broadcast %jit3A_437 : f32 to vector<256x1xf32>
    %select_n3A_441 = arith.select %eq3A_435, %broadcast_in_dim3A_439, %broadcast_in_dim3A_440 : vector<256x1xi1>, vector<256x1xf32>
    %slice3A_442 = vector.extract_strided_slice %broadcast_in_dim3A_86 {offsets = [3, 0], sizes = [1, 1], strides = [1, 1]} : vector<4x1xi32> to vector<1x1xi32>
    %eq3A_443 = vector.broadcast %slice3A_442 : vector<1x1xi32> to vector<256x1xi32>
    %eq3A_444 = arith.cmpi eq, %iota3A_172, %eq3A_443 : vector<256x1xi32>
    %slice3A_445 = vector.extract_strided_slice %div3A_153 {offsets = [3, 0], sizes = [1, 1], strides = [1, 1]} : vector<4x1xf32> to vector<1x1xf32>
    %jit3A_446 = arith.constant 0.000000e+00 : f32
    %broadcast_in_dim3A_447 = vector.shape_cast %slice3A_445 : vector<1x1xf32> to vector<1x1xf32>
    %broadcast_in_dim3A_448 = vector.broadcast %broadcast_in_dim3A_447 : vector<1x1xf32> to vector<256x1xf32>
    %broadcast_in_dim3A_449 = vector.broadcast %jit3A_446 : f32 to vector<256x1xf32>
    %select_n3A_450 = arith.select %eq3A_444, %broadcast_in_dim3A_448, %broadcast_in_dim3A_449 : vector<256x1xi1>, vector<256x1xf32>
    %add3A_451 = arith.addf %select_n3A_441, %select_n3A_450 : vector<256x1xf32>
    %slice3A_452 = vector.extract_strided_slice %broadcast_in_dim3A_102 {offsets = [3, 0], sizes = [1, 1], strides = [1, 1]} : vector<4x1xi32> to vector<1x1xi32>
    %eq3A_453 = vector.broadcast %slice3A_452 : vector<1x1xi32> to vector<256x1xi32>
    %eq3A_454 = arith.cmpi eq, %iota3A_172, %eq3A_453 : vector<256x1xi32>
    %slice3A_455 = vector.extract_strided_slice %div3A_162 {offsets = [3, 0], sizes = [1, 1], strides = [1, 1]} : vector<4x1xf32> to vector<1x1xf32>
    %jit3A_456 = arith.constant 0.000000e+00 : f32
    %broadcast_in_dim3A_457 = vector.shape_cast %slice3A_455 : vector<1x1xf32> to vector<1x1xf32>
    %broadcast_in_dim3A_458 = vector.broadcast %broadcast_in_dim3A_457 : vector<1x1xf32> to vector<256x1xf32>
    %broadcast_in_dim3A_459 = vector.broadcast %jit3A_456 : f32 to vector<256x1xf32>
    %select_n3A_460 = arith.select %eq3A_454, %broadcast_in_dim3A_458, %broadcast_in_dim3A_459 : vector<256x1xi1>, vector<256x1xf32>
    %add3A_461 = arith.addf %add3A_451, %select_n3A_460 : vector<256x1xf32>
    %slice3A_462 = vector.extract_strided_slice %broadcast_in_dim3A_118 {offsets = [3, 0], sizes = [1, 1], strides = [1, 1]} : vector<4x1xi32> to vector<1x1xi32>
    %eq3A_463 = vector.broadcast %slice3A_462 : vector<1x1xi32> to vector<256x1xi32>
    %eq3A_464 = arith.cmpi eq, %iota3A_172, %eq3A_463 : vector<256x1xi32>
    %slice3A_465 = vector.extract_strided_slice %div3A_171 {offsets = [3, 0], sizes = [1, 1], strides = [1, 1]} : vector<4x1xf32> to vector<1x1xf32>
    %jit3A_466 = arith.constant 0.000000e+00 : f32
    %broadcast_in_dim3A_467 = vector.shape_cast %slice3A_465 : vector<1x1xf32> to vector<1x1xf32>
    %broadcast_in_dim3A_468 = vector.broadcast %broadcast_in_dim3A_467 : vector<1x1xf32> to vector<256x1xf32>
    %broadcast_in_dim3A_469 = vector.broadcast %jit3A_466 : f32 to vector<256x1xf32>
    %select_n3A_470 = arith.select %eq3A_464, %broadcast_in_dim3A_468, %broadcast_in_dim3A_469 : vector<256x1xi1>, vector<256x1xf32>
    %add3A_471 = arith.addf %add3A_461, %select_n3A_470 : vector<256x1xf32>
    %slice3A_472 = vector.extract_strided_slice %get3A_2 {offsets = [3, 0, 0], sizes = [1, 256, 1024], strides = [1, 1, 1]} : vector<4x256x1024xf32> to vector<1x256x1024xf32>
    %squeeze3A_473 = vector.shape_cast %slice3A_472 : vector<1x256x1024xf32> to vector<256x1024xf32>
    %mul3A_474 = vector.broadcast %add3A_471 : vector<256x1xf32> to vector<256x1024xf32>
    %mul3A_475 = arith.mulf %squeeze3A_473, %mul3A_474 : vector<256x1024xf32>
    %reduce_sum3A_476 = arith.constant dense<0.000000e+00> : vector<1024xf32>
    %reduce_sum3A_477 = vector.multi_reduction <add>, %mul3A_475, %reduce_sum3A_476 [0] : vector<256x1024xf32> to vector<1024xf32>
    %swap3A_478 = arith.constant 3 : index
    %swap3A_479 = arith.constant 0 : index
    %swap3A_480 = arith.constant 0 : index
    %swap3A_481 = vector.load %arg4[%swap3A_478, %swap3A_479, %swap3A_480] : memref<4x1x1024xf32, #tpu.memory_space<vmem>>, vector<1x1x1024xf32>
    %swap3A_482 = vector.shape_cast %swap3A_481 : vector<1x1x1024xf32> to vector<1024xf32>
    %swap3A_483 = vector.shape_cast %reduce_sum3A_477 : vector<1024xf32> to vector<1x1x1024xf32>
    tpu.vector_store %arg4[%swap3A_478, %swap3A_479, %swap3A_480], %swap3A_483 {strides = array<i32>} : memref<4x1x1024xf32, #tpu.memory_space<vmem>>, vector<1x1x1024xf32>,
    %eq3A_484 = arith.constant 0 : i32
    %eq3A_485 = vector.broadcast %eq3A_484 : i32 to vector<8x128xi32>
    %eq3A_486 = arith.cmpi eq, %iota3A_173, %eq3A_485 : vector<8x128xi32>
    %slice3A_487 = vector.extract_strided_slice %broadcast_in_dim3A_70 {offsets = [3, 0], sizes = [1, 1], strides = [1, 1]} : vector<4x1xi32> to vector<1x1xi32>
    %broadcast_in_dim3A_488 = vector.shape_cast %slice3A_487 : vector<1x1xi32> to vector<1x1xi32>
    %broadcast_in_dim3A_489 = vector.broadcast %broadcast_in_dim3A_488 : vector<1x1xi32> to vector<8x128xi32>
    %eq3A_490 = arith.constant 1 : i32
    %eq3A_491 = vector.broadcast %eq3A_490 : i32 to vector<8x128xi32>
    %eq3A_492 = arith.cmpi eq, %iota3A_173, %eq3A_491 : vector<8x128xi32>
    %slice3A_493 = vector.extract_strided_slice %broadcast_in_dim3A_86 {offsets = [3, 0], sizes = [1, 1], strides = [1, 1]} : vector<4x1xi32> to vector<1x1xi32>
    %broadcast_in_dim3A_494 = vector.shape_cast %slice3A_493 : vector<1x1xi32> to vector<1x1xi32>
    %broadcast_in_dim3A_495 = vector.broadcast %broadcast_in_dim3A_494 : vector<1x1xi32> to vector<8x128xi32>
    %eq3A_496 = arith.constant 2 : i32
    %eq3A_497 = vector.broadcast %eq3A_496 : i32 to vector<8x128xi32>
    %eq3A_498 = arith.cmpi eq, %iota3A_173, %eq3A_497 : vector<8x128xi32>
    %slice3A_499 = vector.extract_strided_slice %broadcast_in_dim3A_102 {offsets = [3, 0], sizes = [1, 1], strides = [1, 1]} : vector<4x1xi32> to vector<1x1xi32>
    %broadcast_in_dim3A_500 = vector.shape_cast %slice3A_499 : vector<1x1xi32> to vector<1x1xi32>
    %broadcast_in_dim3A_501 = vector.broadcast %broadcast_in_dim3A_500 : vector<1x1xi32> to vector<8x128xi32>
    %eq3A_502 = arith.constant 3 : i32
    %eq3A_503 = vector.broadcast %eq3A_502 : i32 to vector<8x128xi32>
    %eq3A_504 = arith.cmpi eq, %iota3A_173, %eq3A_503 : vector<8x128xi32>
    %slice3A_505 = vector.extract_strided_slice %broadcast_in_dim3A_118 {offsets = [3, 0], sizes = [1, 1], strides = [1, 1]} : vector<4x1xi32> to vector<1x1xi32>
    %broadcast_in_dim3A_506 = vector.shape_cast %slice3A_505 : vector<1x1xi32> to vector<1x1xi32>
    %broadcast_in_dim3A_507 = vector.broadcast %broadcast_in_dim3A_506 : vector<1x1xi32> to vector<8x128xi32>
    %jit3A_508 = arith.constant 0 : i32
    %broadcast_in_dim3A_509 = vector.broadcast %jit3A_508 : i32 to vector<8x128xi32>
    %select_n3A_510 = arith.select %eq3A_504, %broadcast_in_dim3A_507, %broadcast_in_dim3A_509 : vector<8x128xi1>, vector<8x128xi32>
    %select_n3A_511 = arith.select %eq3A_498, %broadcast_in_dim3A_501, %select_n3A_510 : vector<8x128xi1>, vector<8x128xi32>
    %select_n3A_512 = arith.select %eq3A_492, %broadcast_in_dim3A_495, %select_n3A_511 : vector<8x128xi1>, vector<8x128xi32>
    %select_n3A_513 = arith.select %eq3A_486, %broadcast_in_dim3A_489, %select_n3A_512 : vector<8x128xi1>, vector<8x128xi32>
    %swap3A_514 = arith.constant 3 : index
    %swap3A_515 = arith.constant 0 : index
    %swap3A_516 = arith.constant 0 : index
    %swap3A_517 = vector.load %arg5[%swap3A_514, %swap3A_515, %swap3A_516] : memref<4x8x128xi32, #tpu.memory_space<vmem>>, vector<1x8x128xi32>
    %swap3A_518 = vector.shape_cast %swap3A_517 : vector<1x8x128xi32> to vector<8x128xi32>
    %swap3A_519 = vector.shape_cast %select_n3A_513 : vector<8x128xi32> to vector<1x8x128xi32>
    tpu.vector_store %arg5[%swap3A_514, %swap3A_515, %swap3A_516], %swap3A_519 {strides = array<i32>} : memref<4x8x128xi32, #tpu.memory_space<vmem>>, vector<1x8x128xi32>,
    return
  }
  func.func @transform_0(%arg0: i32) -> (i32, i32, i32) {
    %c0_i32 = arith.constant 0 : i32
    %c0_i32_0 = arith.constant 0 : i32
    %c0_i32_1 = arith.constant 0 : i32
    return %arg0, %c0_i32, %c0_i32_0 : i32, i32, i32
  }
  func.func @transform_1(%arg0: i32) -> (i32, i32, i32) {
    %c0_i32 = arith.constant 0 : i32
    %c0_i32_0 = arith.constant 0 : i32
    %c0_i32_1 = arith.constant 0 : i32
    return %arg0, %c0_i32, %c0_i32_0 : i32, i32, i32
  }
  func.func @transform_2(%arg0: i32) -> (i32, i32, i32) {
    %c0_i32 = arith.constant 0 : i32
    %c0_i32_0 = arith.constant 0 : i32
    %c0_i32_1 = arith.constant 0 : i32
    return %arg0, %c0_i32, %c0_i32_0 : i32, i32, i32
  }
  func.func @transform_3(%arg0: i32) -> (i32, i32, i32) {
    %c0_i32 = arith.constant 0 : i32
    %c0_i32_0 = arith.constant 0 : i32
    %c0_i32_1 = arith.constant 0 : i32
    return %arg0, %c0_i32, %c0_i32_0 : i32, i32, i32
  }
  func.func @transform_4(%arg0: i32) -> (i32, i32, i32) {
    %c0_i32 = arith.constant 0 : i32
    %c0_i32_0 = arith.constant 0 : i32
    %c0_i32_1 = arith.constant 0 : i32
    return %arg0, %c0_i32, %c0_i32_0 : i32, i32, i32
  }
}

</mosaic_0001>

<sc_bundles>
// kernel: kernel.6.cloned.1.call-start
scs
__scs_entry_jumppad:
0x0: {  	(pc) =	sbr.rel $0x88, $3  }
0x1: {  	(tag) =	ssettag $0x0;
	lr =	simm.s32 $0x1  }
0x2: {  	[smem:$0x3F9E] =	sst lr;
	_ =	strace $0xD0000000  }
0x3: {  	_ = 	snop  }
0x4: {  	_ = 	snop  }
0x5: {  	_ = 	snop  }
0x6: {  	_ = 	snop  }
0x7: {  	_ = 	snop  }
__scs_overlays_trampoline_lowered:
0x8: {  	[smem:$0x3FAD] =	sst s0  }
0x9: {  	[smem:$0x3FAE] =	sst s1  }
0xa: {  	[smem:$0x3FAF] =	sst s2  }
0xb: {  	[smem:$0x3FB0] =	sst s3  }
0xc: {  	[smem:$0x3FB1] =	sst s4  }
0xd: {  	[smem:$0x3FB2] =	sst s5  }
0xe: {  	[smem:$0x3FB3] =	sst s6  }
0xf: {  	[smem:$0x3FB4] =	sst s7  }
0x10: {  	[smem:$0x3FB5] =	sst s8  }
0x11: {  	[smem:$0x3FB6] =	sst s9;
	s0 =	simm.s32 @!p0 $0x0  }
0x12: {  	s1 =	sld [smem:$0x3F9C];
	s0 =	simm.s32 @p0 $0x1  }
0x13: {  	[smem:$0x3FB7] =	sst s0;
	s0 =	simm.s32 @!p1 $0x0  }
0x14: {  	s2 =	sld [smem:$0x3F9B];
	s0 =	simm.s32 @p1 $0x1  }
0x15: {  	[smem:$0x3FB8] =	sst s0;
	s0 =	simm.s32 @!p2 $0x0  }
0x16: {  	s3 =	sld [smem:$0x3FDB];
	s0 =	simm.s32 @p2 $0x1  }
0x17: {  	s4 =	simm.s32 $0x1BF5;
	[smem:$0x3FBA] =	sst s0  }
0x18: {  	s0 =	sld [smem:$0x3F9D];
	_ =	swait.ge [sflag:s4], $0x0  }
0x19: {  	s7 =	sld [smem:$0x3F9E]  }
0x1a: {  	s8 =	sadd.s32 $0xFFFFE003, lr  }
0x1b: {  	s9 =	sadd.s32 $0xFFFFFEF7, lr;
	s5 =	simm.s32 $0xFFFFFFFF;
	p2 =	slt.u32 s8, $0xFFFFF086  }
0x1c: {  	p1 =	slt.u32 s9, $0xF7A;
	s5 =	simm.s32 @!p2 $0x0  }
0x1d: {  	s5 =	simm.s32 @p1 $0x1;
	p0 =	seq.s32 s7, s2  }
0x1e: {  	s7 =	smul.u32 @!p0 $0xF7A, s2;
	p2 =	seq.s32 @!p0 s5, $0x0  }
0x1f: {  	s9 =	smul.u32 $0xF7A, s1;
	s8 =	simm.s32 @!p0 $0x1BF5;
	p2 =	por !p2, p0  }
0x20: {  	[sflag:s8] =	ssyncset.s32 @!p0 $0xFFFFF086;
	s6 =	sadd.s32 @!p0 s3, s7;
	s7 =	simm.s32 @!p0 $0x108  }
0x21: {  	s3 =	sadd.s32 s3, s9;
	s6 =	sadd.s32 @!p0 $0x88, s6;
	s7 =	simm.s32 @p2 $0x1082  }
0x22: {  	[simem:s7], [sflag:s8] =	dma.local @!p0 [hbm:s6], $0xF7A  }
0x23: {  	s9 =	sor.u32 $0xD0000000, s2;
	s6 =	simm.s32 $0x108;
	_ =	swait.ge @!p0 [sflag:s8], $0x0  }
0x24: {  	s3 =	sadd.s32 $0x88, s3;
	s6 =	simm.s32 @!p1 $0x1082;
	[sflag:s4] =	ssyncset.s32 $0xFFFFF086  }
0x25: {  	[simem:s6], [sflag:s4] =	dma.local [hbm:s3], $0xF7A  }
0x26: {  	[smem:$0x3F9E] =	sst s1;
	(tag) =	ssettag s2;
	_ =	strace s9  }
0x27: {  	s1 =	sld [smem:$0x3FAE]  }
0x28: {  	s2 =	sld [smem:$0x3FAF]  }
0x29: {  	s4 =	sld [smem:$0x3FB1]  }
0x2a: {  	p0 =	seq.s32 s5, $0x0;
	s5 =	sld [smem:$0x3FB2]  }
0x2b: {  	s6 =	sld [smem:$0x3FB3]  }
0x2c: {  	s7 =	sld [smem:$0x3FB4]  }
0x2d: {  	s3 =	simm.s32 $0x108;
	s8 =	sld [smem:$0x3FB5]  }
0x2e: {  	s3 =	simm.s32 @!p0 $0x1082;
	s9 =	sld [smem:$0x3FB6]  }
0x2f: {  	lr =	sadd.s32 s0, s3;
	s0 =	sld [smem:$0x3FAD]  }
0x30: {  	s3 =	sld [smem:$0x3FB0]  }
0x31: {  	[smem:$0x3FB9] =	sst s10  }
0x32: {  	s10 =	sld [smem:$0x3FB7];
	_ =	sdelay $0x3  }
0x33: {  	p0 =	seq.s32 s10, $0x1;
	s10 =	sld [smem:$0x3FB9];
	_ =	sdelay $0x3  }
0x34: {  	[smem:$0x3FB9] =	sst s10  }
0x35: {  	s10 =	sld [smem:$0x3FB8];
	_ =	sdelay $0x3  }
0x36: {  	p1 =	seq.s32 s10, $0x1;
	s10 =	sld [smem:$0x3FB9];
	_ =	sdelay $0x3  }
0x37: {  	[smem:$0x3FB9] =	sst s10  }
0x38: {  	s10 =	sld [smem:$0x3FBA]  }
0x39: {  	_ = 	snop;
	(pc) =	sbr.ind lr, $3  }
0x3a: {  	_ = 	snop  }
0x3b: {  	_ = 	snop  }
0x3c: {  	p2 =	seq.s32 s10, $0x1;
	s10 =	sld [smem:$0x3FB9]  }
0x3d: {  	_ =	shalt  }
0x3e: {  	_ =	shalt  }
0x3f: {  	_ =	shalt  }
0x40: {  	_ =	shalt  }
0x41: {  	_ =	shalt  }
0x42: {  	_ =	shalt  }
0x43: {  	_ =	shalt  }
0x44: {  	_ =	shalt  }
0x45: {  	_ =	shalt  }
0x46: {  	_ =	shalt  }
0x47: {  	_ =	shalt  }
0x48: {  	_ =	shalt  }
0x49: {  	_ =	shalt  }
0x4a: {  	_ =	shalt  }
0x4b: {  	_ =	shalt  }
0x4c: {  	_ =	shalt  }
0x4d: {  	_ =	shalt  }
0x4e: {  	_ =	shalt  }
0x4f: {  	_ =	shalt  }
0x50: {  	_ =	shalt  }
0x51: {  	_ =	shalt  }
0x52: {  	_ =	shalt  }
0x53: {  	_ =	shalt  }
0x54: {  	_ =	shalt  }
0x55: {  	_ =	shalt  }
0x56: {  	_ =	shalt  }
0x57: {  	_ =	shalt  }
0x58: {  	_ =	shalt  }
0x59: {  	_ =	shalt  }
0x5a: {  	_ =	shalt  }
0x5b: {  	_ =	shalt  }
0x5c: {  	_ =	shalt  }
0x5d: {  	_ =	shalt  }
0x5e: {  	_ =	shalt  }
0x5f: {  	_ =	shalt  }
0x60: {  	_ =	shalt  }
0x61: {  	_ =	shalt  }
0x62: {  	_ =	shalt  }
0x63: {  	_ =	shalt  }
0x64: {  	_ =	shalt  }
0x65: {  	_ =	shalt  }
0x66: {  	_ =	shalt  }
0x67: {  	_ =	shalt  }
0x68: {  	_ =	shalt  }
0x69: {  	_ =	shalt  }
0x6a: {  	_ =	shalt  }
0x6b: {  	_ =	shalt  }
0x6c: {  	_ =	shalt  }
0x6d: {  	_ =	shalt  }
0x6e: {  	_ =	shalt  }
0x6f: {  	_ =	shalt  }
0x70: {  	_ =	shalt  }
0x71: {  	_ =	shalt  }
0x72: {  	_ =	shalt  }
0x73: {  	_ =	shalt  }
0x74: {  	_ =	shalt  }
0x75: {  	_ =	shalt  }
0x76: {  	_ =	shalt  }
0x77: {  	_ =	shalt  }
0x78: {  	_ =	shalt  }
0x79: {  	_ =	shalt  }
0x7a: {  	_ =	shalt  }
0x7b: {  	_ =	shalt  }
0x7c: {  	_ =	shalt  }
0x7d: {  	_ =	shalt  }
0x7e: {  	_ =	shalt  }
0x7f: {  	_ =	shalt  }
0x80: {  	_ =	shalt  }
0x81: {  	_ =	shalt  }
0x82: {  	_ =	shalt  }
0x83: {  	_ =	shalt  }
0x84: {  	_ =	shalt  }
0x85: {  	_ =	shalt  }
0x86: {  	_ =	shalt  }
0x87: {  	_ =	shalt  }
.Lfunc_end0:
.L_simem_size_0:
called_computation_lowered:
.L_overlay_start_0:
0x88: {  	s2 =	sld [smem:$0x3FD9]  }
0x89: {  	s3 =	sld [smem:$0x3FFE];
	_ =	sdelay $0x1  }
0x8a: {  	s1 =	srdreg.scid  }
0x8b: {  	s0 =	sand.u32 $0x1, s1  }
0x8c: {  	s17 =	sshll.u32 s0, $0xA;
	s2 =	sadd.s32 s3, s2  }
0x8d: {  	s2 =	sadd.s32 s2, s17  }
0x8e: {  	[smem:$0x3FC5] =	sst s2  }
0x8f: {  	_ = 	snop  }
0x90: {  	s18 =	sld [smem:$0x3FC9];
	(tm) =	ssettm $0x1  }
0x91: {  	s19 =	sld [smem:$0x3FFB];
	_ =	sdelay $0x3  }
0x92: {  	_ =	strace s19  }
0x93: {  	s2 =	sld [smem:$0x3FFC];
	_ =	sdelay $0x3  }
0x94: {  	_ =	strace s2  }
0x95: {  	s2 =	sld [smem:$0x3FFD];
	_ =	sdelay $0x3  }
0x96: {  	_ =	strace s2  }
0x97: {  	_ =	strace $0x8FFFFFFF  }
0x98: {  	s20 =	sld [smem:$0x3FDB];
	_ =	sdelay $0x1  }
0x99: {  	s4 =	simm.s32 $_scs_section_size  }
0x9a: {  	s5 =	simm.s32 $_size__tile_overlayer_lowered;
	s6 =	simm.s32 $_tile_overlayer_lowered  }
0x9b: {  	s7 =	simm.s32 $0x1BFF;
	s21 =	sshll.u32 s6, $0x1;
	s4 =	sadd.s32 s4, s20  }
0x9c: {  	s22 =	simm.s32 $0x0;
	s5 =	sshll.u32 s5, $0x1;
	s6 =	sadd.s32 s21, s4  }
0x9d: {  	[timem:s22], [sflag:s7] =	dma.local [hbm:s6], s5  }
0x9e: {  	_ =	swait.ge [sflag:s7], s5  }
0x9f: {  	s5 =	ssub.s32 $0x0, s5;
	[sflag:s7] =	ssyncset.done $0x0  }
0xa0: {  	[sflag:s7] =	ssyncadd.s32 s5;
	_ =	sdelay $0x1  }
0xa1: {  	s23 =	simm.s32 $0x1B8B  }
0xa2: {  	_ =	swait.ge [sflag:s23], $0x1  }
0xa3: {  	[sflag:s23] =	ssyncset.done $0x0  }
0xa4: {  	[sflag:s23] =	ssyncadd.s32 $0xFFFFFFFF  }
0xa5: {  	s5 =	sld [smem:$0x0]  }
0xa6: {  	s6 =	sand.u32 $0xFFFFFFFE, s1  }
0xa7: {  	p0 =	sne.s32 s1, s6  }
0xa8: {  	s6 =	sshll.u32 @p0 s6, $0xE  }
0xa9: {  	s6 =	sadd.s32 @p0 $0x11B8D, s6;
	s7 =	sshll.u32 @p0 s5, $0x11  }
0xaa: {  	s6 =	sor.u32 @p0 s7, s6  }
0xab: {  	[sflag:s6] =	ssyncadd.remote.s32 @p0 $0x1;
	_ =	sdelay $0x1  }
0xac: {  	s6 =	simm.s32 @p0 $0x1B8D  }
0xad: {  	_ =	swait.eq @p0 [sflag:s6], $0x1  }
0xae: {  	[sflag:s6] =	ssyncadd.s32 @p0 $0xFFFFFFFF  }
0xaf: {  	s7 =	sshll.u32 @!p0 s1, $0xE  }
0xb0: {  	s7 =	sor.u32 @!p0 $0x4000, s7;
	s6 =	simm.s32 @!p0 $0x1B8D  }
0xb1: {  	s5 =	sshll.u32 @!p0 s5, $0x11;
	s7 =	sadd.s32 @!p0 $0x11B8D, s7;
	_ =	swait.eq @!p0 [sflag:s6], $0x1  }
0xb2: {  	s5 =	sor.u32 @!p0 s5, s7;
	[sflag:s6] =	ssyncadd.s32 @!p0 $0xFFFFFFFF  }
0xb3: {  	s25 =	simm.s32 $0x1B8E;
	s24 =	sld [smem:$0x3FFE];
	[sflag:s5] =	ssyncadd.remote.s32 @!p0 $0x1  }
0xb4: {  	s26 =	simm.s32 $execute0_lowered;
	[smem:$0x3FD2] =	sst s25  }
0xb5: {  	s6 =	sshll.u32 s26, $0x1;
	_ =	strace $0x80000049;
	[dreg:$0x1] =	wrdreg $0xFFFFFFFF  }
0xb6: {  	s28 =	simm.s32 $_size_execute0_lowered;
	s4 =	sadd.s32 s4, s6;
	[dreg:$0x0] =	wrdreg $0x0  }
0xb7: {  	s6 =	sshll.u32 s28, $0x1;
	[dreg:$0x2] =	wrdreg s4  }
0xb8: {  	[dreg:$0x3] =	wrdreg s6  }
0xb9: {  	[dreg:$0x4] =	wrdreg $0xC0  }
0xba: {  	_ =	task [dreg:s22], $0x5FFFF  }
0xbb: {  	[dreg:$0x1] =	wrdreg $0xFFFFFFFF  }
0xbc: {  	[dreg:$0x0] =	wrdreg $0x60  }
0xbd: {  	[dreg:$0x2] =	wrdreg s18  }
0xbe: {  	[dreg:$0x3] =	wrdreg s24  }
0xbf: {  	[dreg:$0x4] =	wrdreg $0x9  }
0xc0: {  	_ =	task.clear_ibuf [dreg:s22], $0x5FFFF;
	_ =	strace $0x90000049  }
0xc1: {  	s29 =	simm.s32 $0x9;
	_ =	strace $0x8000004B  }
0xc2: {  	_ =	swait.ge [sflag:s29], $0x1  }
0xc3: {  	[sflag:s29] =	ssyncadd.s32 $0xFFFFFFFF  }
0xc4: {  	_ =	strace $0x9000004B  }
0xc5: {  	_ =	sfence  }
0xc6: {  	s30 =	sld [smem:$0x0];
	_ =	sdelay $0x2  }
0xc7: {  	s31 =	sshll.u32 s1, $0xD;
	s1 =	sshrl.u32 s1, $0x2  }
0xc8: {  	s4 =	sand.u32 $0x4000, s31;
	s1 =	sadd.s32 s1, s30  }
0xc9: {  	s0 =	sor.u32 s4, s0;
	s1 =	sshll.u32 s1, $0x11  }
0xca: {  	s0 =	sor.u32 s1, s0  }
0xcb: {  	s0 =	sadd.s32 $0x8F2B, s0  }
0xcc: {  	[sflag:s0] =	ssyncadd.remote.s32 $0x1  }
0xcd: {  	_ =	sfence.sel $0xFFFF  }
0xce: {  	[dreg:$0x0] =	wrdreg $0xFFFFFFFF;
	(pc) =	sbr.abs _section_cstart, $3  }
0xcf: {  	[dreg:$0x1] =	wrdreg $0xFFFFFFFF  }
0xd0: {  	_ =	task.clear_ibuf [dreg:s22], $0x2FFFF;
	_ =	strace $0x9FFFFFFF  }
0xd1: {  	(tm) =	ssettm $0x7FFFFFFF  }
tec
execute0_lowered:
.L_overlay_start_1:
0x0: {  	(tag) =	ssettag $0x1  }
0x1: {  	s1 =	srdreg.scid  }
0x2: {  	s0 =	stileid.u32;
	s31 =	sand.u32 $0x1, s1  }
0x3: {  	s2 =	sshll.u32 s0, $0x6;
	s1 =	sshll.u32 s31, $0xA  }
0x4: {  	v9 =	vlaneseq.u32;
	s25 =	sor.u32 s2, s1  }
0x5: {  	v1 =	vor.u32 s25, v9  }
0x6: {  	v10 =	vand.u32 $0x7, v9;
	v0 =	vshrl.u32 v9, $0x3;
	v2 =	vshll.u32 v1, $0x8  }
0x7: {  	v11 =	vmul.u32 $0x8, v0;
	v3 =	vperm.xlane v2, v10;
	_ =	sdelay $0x1  }
0x8: {  	v0 =	vadd.s32 v11, v3;
	_ =	sdelay $0x1  }
0x9: {  	s22 =	rddreg [dreg:$0x1];
	s3 =	simm.s32 $0x0  }
0xa: {  	[smem:$0x7FF] =	sst s3;
	v1 =	vshll.u32 v1, $0x5  }
0xb: {  	vm0 =	vmmov $0xffff;
	s4 =	simm.s32 $0x100;
	s2 =	rddreg [dreg:$0x0];
	_ =	strace $0x8000004A;
	[tilespmem:$0x0] =	vst v1  }
0xc: {  	v12 =	vor.u32 $0x8, v9;
	[tilespmem:s4], [sflag:$0x1] =	stream.indirect_vreg.gather [hbm4b:s2+s3], $0x80, v0, vm0, $0xb8;
	[tilespmem:$0x8100] =	vst v63  }
0xd: {  	s6 =	simm.s32 $0x900;
	s5 =	sadd.s32 $0x100, s2;
	v2 =	vperm.xlane v2, v12  }
0xe: {  	[tilespmem:s6], [sflag:$0x1] =	stream.indirect_vreg.gather [hbm4b:s5+s3], $0x80, v0, vm0, $0xb8;
	[tilespmem:$0x8100] =	vst v63  }
0xf: {  	s8 =	simm.s32 $0x1100;
	s7 =	sadd.s32 $0x200, s2;
	v2 =	vadd.s32 v11, v2  }
0x10: {  	[tilespmem:s8], [sflag:$0x1] =	stream.indirect_vreg.gather [hbm4b:s7+s3], $0x80, v0, vm0, $0xb8;
	[tilespmem:$0x8100] =	vst v63  }
0x11: {  	s10 =	simm.s32 $0x1900;
	s9 =	sadd.s32 $0x300, s2;
	s26 =	sor.u32 $0x10, s25  }
0x12: {  	[tilespmem:s10], [sflag:$0x1] =	stream.indirect_vreg.gather [hbm4b:s9+s3], $0x80, v0, vm0, $0xb8;
	[tilespmem:$0x8100] =	vst v63  }
0x13: {  	s11 =	simm.s32 $0x2100;
	v4 =	vor.u32 s26, v9  }
0x14: {  	v5 =	vshll.u32 v4, $0x8;
	[tilespmem:s11], [sflag:$0x1] =	stream.indirect_vreg.gather [hbm4b:s2+s3], $0x80, v2, vm0, $0xb8;
	[tilespmem:$0x8100] =	vst v63  }
0x15: {  	s12 =	simm.s32 $0x2900;
	v3 =	vperm.xlane v5, v10  }
0x16: {  	[tilespmem:s12], [sflag:$0x1] =	stream.indirect_vreg.gather [hbm4b:s5+s3], $0x80, v2, vm0, $0xb8;
	[tilespmem:$0x8100] =	vst v63  }
0x17: {  	s13 =	simm.s32 $0x3100;
	v3 =	vadd.s32 v11, v3  }
0x18: {  	[tilespmem:s13], [sflag:$0x1] =	stream.indirect_vreg.gather [hbm4b:s7+s3], $0x80, v2, vm0, $0xb8;
	[tilespmem:$0x8100] =	vst v63  }
0x19: {  	s14 =	simm.s32 $0x3900  }
0x1a: {  	v4 =	vshll.u32 v4, $0x5;
	[tilespmem:s14], [sflag:$0x1] =	stream.indirect_vreg.gather [hbm4b:s9+s3], $0x80, v2, vm0, $0xb8;
	[tilespmem:$0x8100] =	vst v63  }
0x1b: {  	s15 =	simm.s32 $0x4100;
	[tilespmem:$0x80] =	vst v4  }
0x1c: {  	[tilespmem:s15], [sflag:$0x2] =	stream.indirect_vreg.gather [hbm4b:s2+s3], $0x80, v3, vm0, $0xb8;
	[tilespmem:$0x8100] =	vst v63  }
0x1d: {  	s16 =	simm.s32 $0x4900;
	v5 =	vperm.xlane v5, v12  }
0x1e: {  	[tilespmem:s16], [sflag:$0x2] =	stream.indirect_vreg.gather [hbm4b:s5+s3], $0x80, v3, vm0, $0xb8;
	[tilespmem:$0x8100] =	vst v63  }
0x1f: {  	s17 =	simm.s32 $0x5100;
	v5 =	vadd.s32 v11, v5  }
0x20: {  	[tilespmem:s17], [sflag:$0x2] =	stream.indirect_vreg.gather [hbm4b:s7+s3], $0x80, v3, vm0, $0xb8;
	[tilespmem:$0x8100] =	vst v63  }
0x21: {  	s18 =	simm.s32 $0x5900  }
0x22: {  	[tilespmem:s18], [sflag:$0x2] =	stream.indirect_vreg.gather [hbm4b:s9+s3], $0x80, v3, vm0, $0xb8;
	[tilespmem:$0x8100] =	vst v63  }
0x23: {  	s19 =	simm.s32 $0x6100  }
0x24: {  	[tilespmem:s19], [sflag:$0x2] =	stream.indirect_vreg.gather [hbm4b:s2+s3], $0x80, v5, vm0, $0xb8;
	[tilespmem:$0x8100] =	vst v63  }
0x25: {  	s20 =	simm.s32 $0x6900;
	s30 =	sadd.s32 $0x41A00, s22;
	s24 =	sshll.u32 s25, $0x7  }
0x26: {  	[tilespmem:s20], [sflag:$0x2] =	stream.indirect_vreg.gather [hbm4b:s5+s3], $0x80, v5, vm0, $0xb8;
	[tilespmem:$0x8100] =	vst v63  }
0x27: {  	s21 =	simm.s32 $0x7100;
	s22 =	simm.s32 $0x7900;
	s23 =	sadd.s32 s30, s24  }
0x28: {  	[tilespmem:s21], [sflag:$0x2] =	stream.indirect_vreg.gather [hbm4b:s7+s3], $0x80, v5, vm0, $0xb8;
	[tilespmem:$0x8100] =	vst v63  }
0x29: {  	s29 =	sor.u32 $0x20, s25;
	[dreg:$0x3] =	wrdreg s23;
	s23 =	simm.s32 $0x1  }
0x2a: {  	v6 =	vor.u32 s29, v9;
	[tilespmem:s22], [sflag:$0x2] =	stream.indirect_vreg.gather [hbm4b:s9+s3], $0x80, v5, vm0, $0xb8;
	[tilespmem:$0x8100] =	vst v63  }
0x2b: {  	v8 =	vshll.u32 v6, $0x8;
	_ =	swait.ge [sflag:s23], $0x4000  }
0x2c: {  	v7 =	vperm.xlane v8, v10;
	[sflag:s23] =	ssyncset.done $0x0  }
0x2d: {  	s24 =	rddreg [dreg:$0x3];
	[sflag:s23] =	ssyncadd.s32 $0xFFFFC000  }
0x2e: {  	v6 =	vshll.u32 v6, $0x5;
	v7 =	vadd.s32 v11, v7;
	[hbm4b:s24+s3] =	stream.linear.scatter [tilespmem:s4], [sflag:$0x3], $0x4000, $0x38;
	[tilespmem:$0x8100] =	vst v63  }
0x2f: {  	s24 =	simm.s32 $0x3;
	[tilespmem:$0x0] =	vst v6  }
0x30: {  	_ =	swait.ge [sflag:s24], $0x4000  }
0x31: {  	[sflag:s24] =	ssyncset.done $0x0  }
0x32: {  	[sflag:s24] =	ssyncadd.s32 $0xFFFFC000  }
0x33: {  	[tilespmem:s4], [sflag:$0x1] =	stream.indirect_vreg.gather [hbm4b:s2+s3], $0x80, v7, vm0, $0xb8;
	[tilespmem:$0x8100] =	vst v63  }
0x34: {  	v8 =	vperm.xlane v8, v12  }
0x35: {  	[tilespmem:s6], [sflag:$0x1] =	stream.indirect_vreg.gather [hbm4b:s5+s3], $0x80, v7, vm0, $0xb8;
	[tilespmem:$0x8100] =	vst v63  }
0x36: {  	v8 =	vadd.s32 v11, v8  }
0x37: {  	[tilespmem:s8], [sflag:$0x1] =	stream.indirect_vreg.gather [hbm4b:s7+s3], $0x80, v7, vm0, $0xb8;
	[tilespmem:$0x8100] =	vst v63  }
0x38: {  	_ = 	snop  }
0x39: {  	[tilespmem:s10], [sflag:$0x1] =	stream.indirect_vreg.gather [hbm4b:s9+s3], $0x80, v7, vm0, $0xb8;
	[tilespmem:$0x8100] =	vst v63  }
0x3a: {  	_ = 	snop  }
0x3b: {  	[tilespmem:s11], [sflag:$0x1] =	stream.indirect_vreg.gather [hbm4b:s2+s3], $0x80, v8, vm0, $0xb8;
	[tilespmem:$0x8100] =	vst v63  }
0x3c: {  	_ = 	snop  }
0x3d: {  	[tilespmem:s12], [sflag:$0x1] =	stream.indirect_vreg.gather [hbm4b:s5+s3], $0x80, v8, vm0, $0xb8;
	[tilespmem:$0x8100] =	vst v63  }
0x3e: {  	_ = 	snop  }
0x3f: {  	[tilespmem:s13], [sflag:$0x1] =	stream.indirect_vreg.gather [hbm4b:s7+s3], $0x80, v8, vm0, $0xb8;
	[tilespmem:$0x8100] =	vst v63  }
0x40: {  	s1 =	sor.u32 $0x30, s25;
	s25 =	simm.s32 $0x2  }
0x41: {  	v9 =	vor.u32 s1, v9;
	[tilespmem:s14], [sflag:$0x1] =	stream.indirect_vreg.gather [hbm4b:s9+s3], $0x80, v8, vm0, $0xb8;
	[tilespmem:$0x8100] =	vst v63  }
0x42: {  	v13 =	vshll.u32 v9, $0x8;
	_ =	swait.ge [sflag:s25], $0x4000  }
0x43: {  	s26 =	sshll.u32 s26, $0x7;
	v10 =	vperm.xlane v13, v10;
	[sflag:s25] =	ssyncset.done $0x0  }
0x44: {  	s26 =	sadd.s32 s30, s26;
	[sflag:s25] =	ssyncadd.s32 $0xFFFFC000  }
0x45: {  	v9 =	vshll.u32 v9, $0x5;
	v10 =	vadd.s32 v11, v10;
	[hbm4b:s26+s3] =	stream.linear.scatter [tilespmem:s15], [sflag:$0x4], $0x4000, $0x38;
	[tilespmem:$0x8100] =	vst v63  }
0x46: {  	s28 =	simm.s32 $0x4;
	[tilespmem:$0x80] =	vst v9  }
0x47: {  	_ =	swait.ge [sflag:s28], $0x4000  }
0x48: {  	[sflag:s28] =	ssyncset.done $0x0  }
0x49: {  	[sflag:s28] =	ssyncadd.s32 $0xFFFFC000  }
0x4a: {  	[tilespmem:s15], [sflag:$0x2] =	stream.indirect_vreg.gather [hbm4b:s2+s3], $0x80, v10, vm0, $0xb8;
	[tilespmem:$0x8100] =	vst v63  }
0x4b: {  	v12 =	vperm.xlane v13, v12  }
0x4c: {  	[tilespmem:s16], [sflag:$0x2] =	stream.indirect_vreg.gather [hbm4b:s5+s3], $0x80, v10, vm0, $0xb8;
	[tilespmem:$0x8100] =	vst v63  }
0x4d: {  	v11 =	vadd.s32 v11, v12  }
0x4e: {  	[tilespmem:s17], [sflag:$0x2] =	stream.indirect_vreg.gather [hbm4b:s7+s3], $0x80, v10, vm0, $0xb8;
	[tilespmem:$0x8100] =	vst v63  }
0x4f: {  	_ = 	snop  }
0x50: {  	[tilespmem:s18], [sflag:$0x2] =	stream.indirect_vreg.gather [hbm4b:s9+s3], $0x80, v10, vm0, $0xb8;
	[tilespmem:$0x8100] =	vst v63  }
0x51: {  	_ = 	snop  }
0x52: {  	[tilespmem:s19], [sflag:$0x2] =	stream.indirect_vreg.gather [hbm4b:s2+s3], $0x80, v11, vm0, $0xb8;
	[tilespmem:$0x8100] =	vst v63  }
0x53: {  	_ = 	snop  }
0x54: {  	[tilespmem:s20], [sflag:$0x2] =	stream.indirect_vreg.gather [hbm4b:s5+s3], $0x80, v11, vm0, $0xb8;
	[tilespmem:$0x8100] =	vst v63  }
0x55: {  	_ = 	snop  }
0x56: {  	[tilespmem:s21], [sflag:$0x2] =	stream.indirect_vreg.gather [hbm4b:s7+s3], $0x80, v11, vm0, $0xb8;
	[tilespmem:$0x8100] =	vst v63  }
0x57: {  	s29 =	sshll.u32 s29, $0x7  }
0x58: {  	[tilespmem:s22], [sflag:$0x2] =	stream.indirect_vreg.gather [hbm4b:s9+s3], $0x80, v11, vm0, $0xb8;
	[tilespmem:$0x8100] =	vst v63  }
0x59: {  	s1 =	sshll.u32 s1, $0x7;
	s29 =	sadd.s32 s30, s29;
	_ =	swait.ge [sflag:s23], $0x4000  }
0x5a: {  	s30 =	sadd.s32 s30, s1;
	s1 =	ssub.s32 $0x2, s31;
	[sflag:s23] =	ssyncset.done $0x0  }
0x5b: {  	s31 =	sshrl.u32 s1, $0x1;
	[sflag:s23] =	ssyncadd.s32 $0xFFFFC000  }
0x5c: {  	[hbm4b:s29+s3] =	stream.linear.scatter [tilespmem:s4], [sflag:$0x3], $0x4000, $0x38;
	[tilespmem:$0x8100] =	vst v63  }
0x5d: {  	s1 =	ssub.s32 s1, s31;
	_ =	swait.ge [sflag:s25], $0x4000  }
0x5e: {  	s1 =	smax.u32 s1, $0x1;
	[sflag:s25] =	ssyncset.done $0x0  }
0x5f: {  	p0 =	sne.s32 s1, $0x1;
	[sflag:s25] =	ssyncadd.s32 $0xFFFFC000  }
0x60: {  	[hbm4b:s30+s3] =	stream.linear.scatter [tilespmem:s15], [sflag:$0x4], $0x4000, $0x38;
	[tilespmem:$0x8100] =	vst v63  }
.Ltmp0:
0x61: {  	_ =	swait.ge [sflag:s24], $0x4000;
	(pc) =	sbr.rel @!p0 .LBB2_2-.Ltmp0, $4  }
0x62: {  	[sflag:s24] =	ssyncset.done $0x0  }
0x63: {  	[sflag:s24] =	ssyncadd.s32 $0xFFFFC000  }
0x64: {  	_ =	swait.ge [sflag:s28], $0x4000  }
0x65: {  	s31 =	sadd.s32 $0xFFFFFFFF, s1;
	[sflag:s28] =	ssyncset.done $0x0  }
.LBB2_1:
0x66: {  	[sflag:s28] =	ssyncadd.s32 $0xFFFFC000  }
0x67: {  	[tilespmem:$0x0] =	vst v1  }
0x68: {  	[tilespmem:s4], [sflag:$0x1] =	stream.indirect_vreg.gather [hbm4b:s2+s3], $0x80, v0, vm0, $0xb8;
	[tilespmem:$0x8100] =	vst v63  }
0x69: {  	_ = 	snop  }
0x6a: {  	[tilespmem:s6], [sflag:$0x1] =	stream.indirect_vreg.gather [hbm4b:s5+s3], $0x80, v0, vm0, $0xb8;
	[tilespmem:$0x8100] =	vst v63  }
0x6b: {  	_ = 	snop  }
0x6c: {  	[tilespmem:s8], [sflag:$0x1] =	stream.indirect_vreg.gather [hbm4b:s7+s3], $0x80, v0, vm0, $0xb8;
	[tilespmem:$0x8100] =	vst v63  }
0x6d: {  	_ = 	snop  }
0x6e: {  	[tilespmem:s10], [sflag:$0x1] =	stream.indirect_vreg.gather [hbm4b:s9+s3], $0x80, v0, vm0, $0xb8;
	[tilespmem:$0x8100] =	vst v63  }
0x6f: {  	_ = 	snop  }
0x70: {  	[tilespmem:s11], [sflag:$0x1] =	stream.indirect_vreg.gather [hbm4b:s2+s3], $0x80, v2, vm0, $0xb8;
	[tilespmem:$0x8100] =	vst v63  }
0x71: {  	_ = 	snop  }
0x72: {  	[tilespmem:s12], [sflag:$0x1] =	stream.indirect_vreg.gather [hbm4b:s5+s3], $0x80, v2, vm0, $0xb8;
	[tilespmem:$0x8100] =	vst v63  }
0x73: {  	_ = 	snop  }
0x74: {  	[tilespmem:s13], [sflag:$0x1] =	stream.indirect_vreg.gather [hbm4b:s7+s3], $0x80, v2, vm0, $0xb8;
	[tilespmem:$0x8100] =	vst v63  }
0x75: {  	_ = 	snop  }
0x76: {  	[tilespmem:s14], [sflag:$0x1] =	stream.indirect_vreg.gather [hbm4b:s9+s3], $0x80, v2, vm0, $0xb8;
	[tilespmem:$0x8100] =	vst v63  }
0x77: {  	[tilespmem:$0x80] =	vst v4  }
0x78: {  	[tilespmem:s15], [sflag:$0x2] =	stream.indirect_vreg.gather [hbm4b:s2+s3], $0x80, v3, vm0, $0xb8;
	[tilespmem:$0x8100] =	vst v63  }
0x79: {  	_ = 	snop  }
0x7a: {  	[tilespmem:s16], [sflag:$0x2] =	stream.indirect_vreg.gather [hbm4b:s5+s3], $0x80, v3, vm0, $0xb8;
	[tilespmem:$0x8100] =	vst v63  }
0x7b: {  	_ = 	snop  }
0x7c: {  	[tilespmem:s17], [sflag:$0x2] =	stream.indirect_vreg.gather [hbm4b:s7+s3], $0x80, v3, vm0, $0xb8;
	[tilespmem:$0x8100] =	vst v63  }
0x7d: {  	_ = 	snop  }
0x7e: {  	[tilespmem:s18], [sflag:$0x2] =	stream.indirect_vreg.gather [hbm4b:s9+s3], $0x80, v3, vm0, $0xb8;
	[tilespmem:$0x8100] =	vst v63  }
0x7f: {  	_ = 	snop  }
0x80: {  	[tilespmem:s19], [sflag:$0x2] =	stream.indirect_vreg.gather [hbm4b:s2+s3], $0x80, v5, vm0, $0xb8;
	[tilespmem:$0x8100] =	vst v63  }
0x81: {  	_ = 	snop  }
0x82: {  	[tilespmem:s20], [sflag:$0x2] =	stream.indirect_vreg.gather [hbm4b:s5+s3], $0x80, v5, vm0, $0xb8;
	[tilespmem:$0x8100] =	vst v63  }
0x83: {  	_ = 	snop  }
0x84: {  	[tilespmem:s21], [sflag:$0x2] =	stream.indirect_vreg.gather [hbm4b:s7+s3], $0x80, v5, vm0, $0xb8;
	[tilespmem:$0x8100] =	vst v63  }
0x85: {  	_ = 	snop  }
0x86: {  	[tilespmem:s22], [sflag:$0x2] =	stream.indirect_vreg.gather [hbm4b:s9+s3], $0x80, v5, vm0, $0xb8;
	[tilespmem:$0x8100] =	vst v63  }
0x87: {  	_ =	swait.ge [sflag:s23], $0x4000  }
0x88: {  	[sflag:s23] =	ssyncset.done $0x0  }
0x89: {  	s1 =	rddreg [dreg:$0x3];
	[sflag:s23] =	ssyncadd.s32 $0xFFFFC000  }
0x8a: {  	[hbm4b:s1+s3] =	stream.linear.scatter [tilespmem:s4], [sflag:$0x3], $0x4000, $0x38;
	[tilespmem:$0x8100] =	vst v63  }
0x8b: {  	[tilespmem:$0x0] =	vst v6  }
0x8c: {  	_ =	swait.ge [sflag:s24], $0x4000  }
0x8d: {  	[sflag:s24] =	ssyncset.done $0x0  }
0x8e: {  	[sflag:s24] =	ssyncadd.s32 $0xFFFFC000  }
0x8f: {  	[tilespmem:s4], [sflag:$0x1] =	stream.indirect_vreg.gather [hbm4b:s2+s3], $0x80, v7, vm0, $0xb8;
	[tilespmem:$0x8100] =	vst v63  }
0x90: {  	_ = 	snop  }
0x91: {  	[tilespmem:s6], [sflag:$0x1] =	stream.indirect_vreg.gather [hbm4b:s5+s3], $0x80, v7, vm0, $0xb8;
	[tilespmem:$0x8100] =	vst v63  }
0x92: {  	_ = 	snop  }
0x93: {  	[tilespmem:s8], [sflag:$0x1] =	stream.indirect_vreg.gather [hbm4b:s7+s3], $0x80, v7, vm0, $0xb8;
	[tilespmem:$0x8100] =	vst v63  }
0x94: {  	_ = 	snop  }
0x95: {  	[tilespmem:s10], [sflag:$0x1] =	stream.indirect_vreg.gather [hbm4b:s9+s3], $0x80, v7, vm0, $0xb8;
	[tilespmem:$0x8100] =	vst v63  }
0x96: {  	_ = 	snop  }
0x97: {  	[tilespmem:s11], [sflag:$0x1] =	stream.indirect_vreg.gather [hbm4b:s2+s3], $0x80, v8, vm0, $0xb8;
	[tilespmem:$0x8100] =	vst v63  }
0x98: {  	_ = 	snop  }
0x99: {  	[tilespmem:s12], [sflag:$0x1] =	stream.indirect_vreg.gather [hbm4b:s5+s3], $0x80, v8, vm0, $0xb8;
	[tilespmem:$0x8100] =	vst v63  }
0x9a: {  	_ = 	snop  }
0x9b: {  	[tilespmem:s13], [sflag:$0x1] =	stream.indirect_vreg.gather [hbm4b:s7+s3], $0x80, v8, vm0, $0xb8;
	[tilespmem:$0x8100] =	vst v63  }
0x9c: {  	_ = 	snop  }
0x9d: {  	[tilespmem:s14], [sflag:$0x1] =	stream.indirect_vreg.gather [hbm4b:s9+s3], $0x80, v8, vm0, $0xb8;
	[tilespmem:$0x8100] =	vst v63  }
0x9e: {  	_ =	swait.ge [sflag:s25], $0x4000  }
0x9f: {  	[sflag:s25] =	ssyncset.done $0x0  }
0xa0: {  	[sflag:s25] =	ssyncadd.s32 $0xFFFFC000  }
0xa1: {  	[hbm4b:s26+s3] =	stream.linear.scatter [tilespmem:s15], [sflag:$0x4], $0x4000, $0x38;
	[tilespmem:$0x8100] =	vst v63  }
0xa2: {  	[tilespmem:$0x80] =	vst v9  }
0xa3: {  	_ =	swait.ge [sflag:s28], $0x4000  }
0xa4: {  	[sflag:s28] =	ssyncset.done $0x0  }
0xa5: {  	[sflag:s28] =	ssyncadd.s32 $0xFFFFC000  }
0xa6: {  	[tilespmem:s15], [sflag:$0x2] =	stream.indirect_vreg.gather [hbm4b:s2+s3], $0x80, v10, vm0, $0xb8;
	[tilespmem:$0x8100] =	vst v63  }
0xa7: {  	_ = 	snop  }
0xa8: {  	[tilespmem:s16], [sflag:$0x2] =	stream.indirect_vreg.gather [hbm4b:s5+s3], $0x80, v10, vm0, $0xb8;
	[tilespmem:$0x8100] =	vst v63  }
0xa9: {  	_ = 	snop  }
0xaa: {  	[tilespmem:s17], [sflag:$0x2] =	stream.indirect_vreg.gather [hbm4b:s7+s3], $0x80, v10, vm0, $0xb8;
	[tilespmem:$0x8100] =	vst v63  }
0xab: {  	_ = 	snop  }
0xac: {  	[tilespmem:s18], [sflag:$0x2] =	stream.indirect_vreg.gather [hbm4b:s9+s3], $0x80, v10, vm0, $0xb8;
	[tilespmem:$0x8100] =	vst v63  }
0xad: {  	_ = 	snop  }
0xae: {  	[tilespmem:s19], [sflag:$0x2] =	stream.indirect_vreg.gather [hbm4b:s2+s3], $0x80, v11, vm0, $0xb8;
	[tilespmem:$0x8100] =	vst v63  }
0xaf: {  	_ = 	snop  }
0xb0: {  	[tilespmem:s20], [sflag:$0x2] =	stream.indirect_vreg.gather [hbm4b:s5+s3], $0x80, v11, vm0, $0xb8;
	[tilespmem:$0x8100] =	vst v63  }
0xb1: {  	_ = 	snop  }
0xb2: {  	[tilespmem:s21], [sflag:$0x2] =	stream.indirect_vreg.gather [hbm4b:s7+s3], $0x80, v11, vm0, $0xb8;
	[tilespmem:$0x8100] =	vst v63  }
0xb3: {  	_ = 	snop  }
0xb4: {  	[tilespmem:s22], [sflag:$0x2] =	stream.indirect_vreg.gather [hbm4b:s9+s3], $0x80, v11, vm0, $0xb8;
	[tilespmem:$0x8100] =	vst v63  }
0xb5: {  	_ =	swait.ge [sflag:s23], $0x4000  }
0xb6: {  	[sflag:s23] =	ssyncset.done $0x0  }
0xb7: {  	[sflag:s23] =	ssyncadd.s32 $0xFFFFC000  }
0xb8: {  	[hbm4b:s29+s3] =	stream.linear.scatter [tilespmem:s4], [sflag:$0x3], $0x4000, $0x38;
	[tilespmem:$0x8100] =	vst v63  }
0xb9: {  	_ =	swait.ge [sflag:s25], $0x4000  }
0xba: {  	[sflag:s25] =	ssyncset.done $0x0  }
0xbb: {  	p0 =	sne.s32 s31, $0x1;
	[sflag:s25] =	ssyncadd.s32 $0xFFFFC000  }
0xbc: {  	[hbm4b:s30+s3] =	stream.linear.scatter [tilespmem:s15], [sflag:$0x4], $0x4000, $0x38;
	[tilespmem:$0x8100] =	vst v63  }
.Ltmp1:
0xbd: {  	_ =	swait.ge [sflag:s24], $0x4000;
	(pc) =	sbr.rel @p0 .LBB2_1-.Ltmp1, $4  }
0xbe: {  	[sflag:s24] =	ssyncset.done $0x0  }
0xbf: {  	[sflag:s24] =	ssyncadd.s32 $0xFFFFC000  }
0xc0: {  	_ =	swait.ge [sflag:s28], $0x4000  }
0xc1: {  	s31 =	sadd.s32 $0xFFFFFFFF, s31;
	[sflag:s28] =	ssyncset.done $0x0  }
.LBB2_2:
0xc2: {  	[sflag:s28] =	ssyncadd.s32 $0xFFFFC000  }
0xc3: {  	_ =	sfence.sel $0x180000  }
0xc4: {  	[bflag:$0x0] =	sbarrier.arrive $0xFFFF  }
0xc5: {  	_ =	strace $0x9000004A  }
0xc6: {  	[bflag:$0x2] =	sbarrier.arrive $0xFFFF  }
0xc7: {  	p0 =	sne.s32 s0, $0x0;
	s0 =	rddreg [dreg:$0x2]  }
0xc8: {  	s0 =	sadd.s32 @!p0 $0x100000, s0  }
0xc9: {  	[sflag:s0] =	ssyncadd.tile.s32 @!p0 $0x1;
	_ =	shalt  }
.Lfunc_end2:
_tile_overlayer_lowered:
.L_overlay_start_2:
0xca: {  	(tag) =	ssettag $0x2  }
0xcb: {  	s0 =	rddreg [dreg:$0x0];
	s2 =	stileid.u32  }
0xcc: {  	s1 =	rddreg [dreg:$0x1];
	p0 =	sne.s32 s2, $0x0  }
0xcd: {  	s3 =	rddreg [dreg:$0x2];
	[bflag:$0x3] =	sbarrier.arrive $0xFFFF;
	s2 =	simm.s32 @!p0 $0x1C05  }
0xce: {  	[timem:s3], [sflag:s2] =	dma.local @!p0 [hbm:s0], s1  }
0xcf: {  	s0 =	simm.s32 @!p0 $0x5  }
0xd0: {  	_ =	swait.ge @!p0 [sflag:s0], s1  }
0xd1: {  	s1 =	ssub.s32 @!p0 $0x0, s1;
	[sflag:s0] =	ssyncset.done @!p0 $0x0  }
0xd2: {  	[sflag:s0] =	ssyncadd.s32 @!p0 s1  }
0xd3: {  	[bflag:$0x3] =	sbarrier.arrive $0xFFFF  }
0xd4: {  	_ =	shalt  }

// kernel: kernel.9.cloned.1.call-start
scs
__scs_entry_jumppad:
0x0: {  	(pc) =	sbr.rel $0x88, $3  }
0x1: {  	(tag) =	ssettag $0x0;
	lr =	simm.s32 $0x1  }
0x2: {  	[smem:$0x3F9E] =	sst lr;
	_ =	strace $0xD0000000  }
0x3: {  	_ = 	snop  }
0x4: {  	_ = 	snop  }
0x5: {  	_ = 	snop  }
0x6: {  	_ = 	snop  }
0x7: {  	_ = 	snop  }
__scs_overlays_trampoline_lowered:
0x8: {  	[smem:$0x3FAD] =	sst s0  }
0x9: {  	[smem:$0x3FAE] =	sst s1  }
0xa: {  	[smem:$0x3FAF] =	sst s2  }
0xb: {  	[smem:$0x3FB0] =	sst s3  }
0xc: {  	[smem:$0x3FB1] =	sst s4  }
0xd: {  	[smem:$0x3FB2] =	sst s5  }
0xe: {  	[smem:$0x3FB3] =	sst s6  }
0xf: {  	[smem:$0x3FB4] =	sst s7  }
0x10: {  	[smem:$0x3FB5] =	sst s8  }
0x11: {  	[smem:$0x3FB6] =	sst s9;
	s0 =	simm.s32 @!p0 $0x0  }
0x12: {  	s1 =	sld [smem:$0x3F9C];
	s0 =	simm.s32 @p0 $0x1  }
0x13: {  	[smem:$0x3FB7] =	sst s0;
	s0 =	simm.s32 @!p1 $0x0  }
0x14: {  	s2 =	sld [smem:$0x3F9B];
	s0 =	simm.s32 @p1 $0x1  }
0x15: {  	[smem:$0x3FB8] =	sst s0;
	s0 =	simm.s32 @!p2 $0x0  }
0x16: {  	s3 =	sld [smem:$0x3FDB];
	s0 =	simm.s32 @p2 $0x1  }
0x17: {  	s4 =	simm.s32 $0x1BF5;
	[smem:$0x3FBA] =	sst s0  }
0x18: {  	s0 =	sld [smem:$0x3F9D];
	_ =	swait.ge [sflag:s4], $0x0  }
0x19: {  	s7 =	sld [smem:$0x3F9E]  }
0x1a: {  	s8 =	sadd.s32 $0xFFFFE003, lr  }
0x1b: {  	s9 =	sadd.s32 $0xFFFFFEF7, lr;
	s5 =	simm.s32 $0xFFFFFFFF;
	p2 =	slt.u32 s8, $0xFFFFF086  }
0x1c: {  	p1 =	slt.u32 s9, $0xF7A;
	s5 =	simm.s32 @!p2 $0x0  }
0x1d: {  	s5 =	simm.s32 @p1 $0x1;
	p0 =	seq.s32 s7, s2  }
0x1e: {  	s7 =	smul.u32 @!p0 $0xF7A, s2;
	p2 =	seq.s32 @!p0 s5, $0x0  }
0x1f: {  	s9 =	smul.u32 $0xF7A, s1;
	s8 =	simm.s32 @!p0 $0x1BF5;
	p2 =	por !p2, p0  }
0x20: {  	[sflag:s8] =	ssyncset.s32 @!p0 $0xFFFFF086;
	s6 =	sadd.s32 @!p0 s3, s7;
	s7 =	simm.s32 @!p0 $0x108  }
0x21: {  	s3 =	sadd.s32 s3, s9;
	s6 =	sadd.s32 @!p0 $0x88, s6;
	s7 =	simm.s32 @p2 $0x1082  }
0x22: {  	[simem:s7], [sflag:s8] =	dma.local @!p0 [hbm:s6], $0xF7A  }
0x23: {  	s9 =	sor.u32 $0xD0000000, s2;
	s6 =	simm.s32 $0x108;
	_ =	swait.ge @!p0 [sflag:s8], $0x0  }
0x24: {  	s3 =	sadd.s32 $0x88, s3;
	s6 =	simm.s32 @!p1 $0x1082;
	[sflag:s4] =	ssyncset.s32 $0xFFFFF086  }
0x25: {  	[simem:s6], [sflag:s4] =	dma.local [hbm:s3], $0xF7A  }
0x26: {  	[smem:$0x3F9E] =	sst s1;
	(tag) =	ssettag s2;
	_ =	strace s9  }
0x27: {  	s1 =	sld [smem:$0x3FAE]  }
0x28: {  	s2 =	sld [smem:$0x3FAF]  }
0x29: {  	s4 =	sld [smem:$0x3FB1]  }
0x2a: {  	p0 =	seq.s32 s5, $0x0;
	s5 =	sld [smem:$0x3FB2]  }
0x2b: {  	s6 =	sld [smem:$0x3FB3]  }
0x2c: {  	s7 =	sld [smem:$0x3FB4]  }
0x2d: {  	s3 =	simm.s32 $0x108;
	s8 =	sld [smem:$0x3FB5]  }
0x2e: {  	s3 =	simm.s32 @!p0 $0x1082;
	s9 =	sld [smem:$0x3FB6]  }
0x2f: {  	lr =	sadd.s32 s0, s3;
	s0 =	sld [smem:$0x3FAD]  }
0x30: {  	s3 =	sld [smem:$0x3FB0]  }
0x31: {  	[smem:$0x3FB9] =	sst s10  }
0x32: {  	s10 =	sld [smem:$0x3FB7];
	_ =	sdelay $0x3  }
0x33: {  	p0 =	seq.s32 s10, $0x1;
	s10 =	sld [smem:$0x3FB9];
	_ =	sdelay $0x3  }
0x34: {  	[smem:$0x3FB9] =	sst s10  }
0x35: {  	s10 =	sld [smem:$0x3FB8];
	_ =	sdelay $0x3  }
0x36: {  	p1 =	seq.s32 s10, $0x1;
	s10 =	sld [smem:$0x3FB9];
	_ =	sdelay $0x3  }
0x37: {  	[smem:$0x3FB9] =	sst s10  }
0x38: {  	s10 =	sld [smem:$0x3FBA]  }
0x39: {  	_ = 	snop;
	(pc) =	sbr.ind lr, $3  }
0x3a: {  	_ = 	snop  }
0x3b: {  	_ = 	snop  }
0x3c: {  	p2 =	seq.s32 s10, $0x1;
	s10 =	sld [smem:$0x3FB9]  }
0x3d: {  	_ =	shalt  }
0x3e: {  	_ =	shalt  }
0x3f: {  	_ =	shalt  }
0x40: {  	_ =	shalt  }
0x41: {  	_ =	shalt  }
0x42: {  	_ =	shalt  }
0x43: {  	_ =	shalt  }
0x44: {  	_ =	shalt  }
0x45: {  	_ =	shalt  }
0x46: {  	_ =	shalt  }
0x47: {  	_ =	shalt  }
0x48: {  	_ =	shalt  }
0x49: {  	_ =	shalt  }
0x4a: {  	_ =	shalt  }
0x4b: {  	_ =	shalt  }
0x4c: {  	_ =	shalt  }
0x4d: {  	_ =	shalt  }
0x4e: {  	_ =	shalt  }
0x4f: {  	_ =	shalt  }
0x50: {  	_ =	shalt  }
0x51: {  	_ =	shalt  }
0x52: {  	_ =	shalt  }
0x53: {  	_ =	shalt  }
0x54: {  	_ =	shalt  }
0x55: {  	_ =	shalt  }
0x56: {  	_ =	shalt  }
0x57: {  	_ =	shalt  }
0x58: {  	_ =	shalt  }
0x59: {  	_ =	shalt  }
0x5a: {  	_ =	shalt  }
0x5b: {  	_ =	shalt  }
0x5c: {  	_ =	shalt  }
0x5d: {  	_ =	shalt  }
0x5e: {  	_ =	shalt  }
0x5f: {  	_ =	shalt  }
0x60: {  	_ =	shalt  }
0x61: {  	_ =	shalt  }
0x62: {  	_ =	shalt  }
0x63: {  	_ =	shalt  }
0x64: {  	_ =	shalt  }
0x65: {  	_ =	shalt  }
0x66: {  	_ =	shalt  }
0x67: {  	_ =	shalt  }
0x68: {  	_ =	shalt  }
0x69: {  	_ =	shalt  }
0x6a: {  	_ =	shalt  }
0x6b: {  	_ =	shalt  }
0x6c: {  	_ =	shalt  }
0x6d: {  	_ =	shalt  }
0x6e: {  	_ =	shalt  }
0x6f: {  	_ =	shalt  }
0x70: {  	_ =	shalt  }
0x71: {  	_ =	shalt  }
0x72: {  	_ =	shalt  }
0x73: {  	_ =	shalt  }
0x74: {  	_ =	shalt  }
0x75: {  	_ =	shalt  }
0x76: {  	_ =	shalt  }
0x77: {  	_ =	shalt  }
0x78: {  	_ =	shalt  }
0x79: {  	_ =	shalt  }
0x7a: {  	_ =	shalt  }
0x7b: {  	_ =	shalt  }
0x7c: {  	_ =	shalt  }
0x7d: {  	_ =	shalt  }
0x7e: {  	_ =	shalt  }
0x7f: {  	_ =	shalt  }
0x80: {  	_ =	shalt  }
0x81: {  	_ =	shalt  }
0x82: {  	_ =	shalt  }
0x83: {  	_ =	shalt  }
0x84: {  	_ =	shalt  }
0x85: {  	_ =	shalt  }
0x86: {  	_ =	shalt  }
0x87: {  	_ =	shalt  }
.Lfunc_end0:
.L_simem_size_0:
called_computation.1_lowered:
.L_overlay_start_0:
0x88: {  	s2 =	sld [smem:$0x3FD9]  }
0x89: {  	s3 =	sld [smem:$0x3FFE];
	_ =	sdelay $0x1  }
0x8a: {  	s1 =	srdreg.scid  }
0x8b: {  	s0 =	sand.u32 $0x1, s1  }
0x8c: {  	s17 =	sshll.u32 s0, $0xA;
	s2 =	sadd.s32 s3, s2  }
0x8d: {  	s2 =	sadd.s32 s2, s17  }
0x8e: {  	[smem:$0x3FC5] =	sst s2  }
0x8f: {  	_ = 	snop  }
0x90: {  	s2 =	sld [smem:$0x3FC9];
	(tm) =	ssettm $0x1  }
0x91: {  	s18 =	sld [smem:$0x3FFB];
	_ =	sdelay $0x3  }
0x92: {  	_ =	strace s18  }
0x93: {  	s3 =	sld [smem:$0x3FFC];
	_ =	sdelay $0x3  }
0x94: {  	_ =	strace s3  }
0x95: {  	s3 =	sld [smem:$0x3FFD];
	_ =	sdelay $0x3  }
0x96: {  	_ =	strace s3  }
0x97: {  	_ =	strace $0x8FFFFFFF  }
0x98: {  	s19 =	sld [smem:$0x3FDB];
	_ =	sdelay $0x1  }
0x99: {  	s4 =	simm.s32 $_scs_section_size  }
0x9a: {  	s5 =	simm.s32 $_size__tile_overlayer_lowered;
	s6 =	simm.s32 $_tile_overlayer_lowered  }
0x9b: {  	s22 =	simm.s32 $0x1BFF;
	s21 =	sshll.u32 s6, $0x1;
	s3 =	sadd.s32 s4, s19  }
0x9c: {  	s7 =	simm.s32 $0x0;
	s20 =	sshll.u32 s5, $0x1;
	s5 =	sadd.s32 s21, s3  }
0x9d: {  	[timem:s7], [sflag:s22] =	dma.local [hbm:s5], s20  }
0x9e: {  	_ =	swait.ge [sflag:s22], s20  }
0x9f: {  	s4 =	ssub.s32 $0x0, s20;
	[sflag:s22] =	ssyncset.done $0x0  }
0xa0: {  	[sflag:s22] =	ssyncadd.s32 s4;
	_ =	sdelay $0x1  }
0xa1: {  	s23 =	simm.s32 $0x1B8B  }
0xa2: {  	_ =	swait.ge [sflag:s23], $0x1  }
0xa3: {  	[sflag:s23] =	ssyncset.done $0x0  }
0xa4: {  	s25 =	simm.s32 $0x1B8E;
	s24 =	sld [smem:$0x3FFE];
	[sflag:s23] =	ssyncadd.s32 $0xFFFFFFFF  }
0xa5: {  	s26 =	simm.s32 $execute0_lowered;
	[smem:$0x3FD2] =	sst s25  }
0xa6: {  	s5 =	sshll.u32 s26, $0x1;
	_ =	strace $0x80000046;
	[dreg:$0x1] =	wrdreg $0xFFFFFFFF  }
0xa7: {  	s28 =	simm.s32 $_size_execute0_lowered;
	s3 =	sadd.s32 s3, s5;
	[dreg:$0x0] =	wrdreg $0x0  }
0xa8: {  	s5 =	sshll.u32 s28, $0x1;
	[dreg:$0x2] =	wrdreg s3  }
0xa9: {  	[dreg:$0x3] =	wrdreg s5  }
0xaa: {  	[dreg:$0x4] =	wrdreg $0xC0  }
0xab: {  	_ =	task [dreg:s7], $0x5FFFF  }
0xac: {  	[dreg:$0x1] =	wrdreg $0xFFFFFFFF  }
0xad: {  	[dreg:$0x0] =	wrdreg $0x60  }
0xae: {  	[dreg:$0x2] =	wrdreg s2  }
0xaf: {  	[dreg:$0x3] =	wrdreg s24  }
0xb0: {  	[dreg:$0x4] =	wrdreg $0xA  }
0xb1: {  	_ =	task.clear_ibuf [dreg:s7], $0x5FFFF;
	_ =	strace $0x90000046  }
0xb2: {  	s29 =	simm.s32 $0xA;
	_ =	strace $0x80000048  }
0xb3: {  	_ =	swait.ge [sflag:s29], $0x1  }
0xb4: {  	[sflag:s29] =	ssyncadd.s32 $0xFFFFFFFF  }
0xb5: {  	_ =	strace $0x90000048  }
0xb6: {  	_ =	sfence  }
0xb7: {  	s30 =	sld [smem:$0x0];
	_ =	sdelay $0x2  }
0xb8: {  	s31 =	sshll.u32 s1, $0xD;
	s1 =	sshrl.u32 s1, $0x2  }
0xb9: {  	s3 =	sand.u32 $0x4000, s31;
	s1 =	sadd.s32 s1, s30  }
0xba: {  	s0 =	sor.u32 s3, s0;
	s1 =	sshll.u32 s1, $0x11  }
0xbb: {  	s0 =	sor.u32 s1, s0  }
0xbc: {  	s0 =	sadd.s32 $0x8F2B, s0  }
0xbd: {  	[sflag:s0] =	ssyncadd.remote.s32 $0x1  }
0xbe: {  	_ =	sfence.sel $0xFFFF  }
0xbf: {  	[dreg:$0x0] =	wrdreg $0xFFFFFFFF;
	(pc) =	sbr.abs _section_cstart, $3  }
0xc0: {  	[dreg:$0x1] =	wrdreg $0xFFFFFFFF  }
0xc1: {  	_ =	task.clear_ibuf [dreg:s7], $0x2FFFF;
	_ =	strace $0x9FFFFFFF  }
0xc2: {  	(tm) =	ssettm $0x7FFFFFFF  }
0xc3: {  	_ =	shalt  }
tec
execute0_lowered:
.L_overlay_start_1:
0x0: {  	(tag) =	ssettag $0x1  }
0x1: {  	s1 =	srdreg.scid  }
0x2: {  	s0 =	stileid.u32;
	s30 =	sand.u32 $0x1, s1  }
0x3: {  	s2 =	sshll.u32 s0, $0x6;
	s1 =	sshll.u32 s30, $0xA  }
0x4: {  	s25 =	sor.u32 s2, s1  }
0x5: {  	v9 =	vlaneseq.u32;
	s1 =	sor.u32 $0x800, s25  }
0x6: {  	v1 =	vor.u32 s1, v9  }
0x7: {  	v10 =	vand.u32 $0x7, v9;
	v0 =	vshrl.u32 v9, $0x3;
	v2 =	vshll.u32 v1, $0x8  }
0x8: {  	v11 =	vmul.u32 $0x8, v0;
	v3 =	vperm.xlane v2, v10;
	_ =	sdelay $0x1  }
0x9: {  	v0 =	vadd.s32 v11, v3;
	_ =	sdelay $0x1  }
0xa: {  	s22 =	rddreg [dreg:$0x1];
	s3 =	simm.s32 $0x0  }
0xb: {  	[smem:$0x7FF] =	sst s3;
	v1 =	vshll.u32 v1, $0x5  }
0xc: {  	vm0 =	vmmov $0xffff;
	s4 =	simm.s32 $0x100;
	s2 =	rddreg [dreg:$0x0];
	_ =	strace $0x80000047;
	[tilespmem:$0x0] =	vst v1  }
0xd: {  	v12 =	vor.u32 $0x8, v9;
	[tilespmem:s4], [sflag:$0x1] =	stream.indirect_vreg.gather [hbm4b:s2+s3], $0x80, v0, vm0, $0xb8;
	[tilespmem:$0x8100] =	vst v63  }
0xe: {  	s6 =	simm.s32 $0x900;
	s5 =	sadd.s32 $0x100, s2;
	v2 =	vperm.xlane v2, v12  }
0xf: {  	[tilespmem:s6], [sflag:$0x1] =	stream.indirect_vreg.gather [hbm4b:s5+s3], $0x80, v0, vm0, $0xb8;
	[tilespmem:$0x8100] =	vst v63  }
0x10: {  	s8 =	simm.s32 $0x1100;
	s7 =	sadd.s32 $0x200, s2;
	v2 =	vadd.s32 v11, v2  }
0x11: {  	[tilespmem:s8], [sflag:$0x1] =	stream.indirect_vreg.gather [hbm4b:s7+s3], $0x80, v0, vm0, $0xb8;
	[tilespmem:$0x8100] =	vst v63  }
0x12: {  	s10 =	simm.s32 $0x1900;
	s9 =	sadd.s32 $0x300, s2;
	s11 =	sor.u32 $0x810, s25  }
0x13: {  	[tilespmem:s10], [sflag:$0x1] =	stream.indirect_vreg.gather [hbm4b:s9+s3], $0x80, v0, vm0, $0xb8;
	[tilespmem:$0x8100] =	vst v63  }
0x14: {  	v4 =	vor.u32 s11, v9;
	s11 =	simm.s32 $0x2100  }
0x15: {  	v5 =	vshll.u32 v4, $0x8;
	[tilespmem:s11], [sflag:$0x1] =	stream.indirect_vreg.gather [hbm4b:s2+s3], $0x80, v2, vm0, $0xb8;
	[tilespmem:$0x8100] =	vst v63  }
0x16: {  	s12 =	simm.s32 $0x2900;
	v3 =	vperm.xlane v5, v10  }
0x17: {  	[tilespmem:s12], [sflag:$0x1] =	stream.indirect_vreg.gather [hbm4b:s5+s3], $0x80, v2, vm0, $0xb8;
	[tilespmem:$0x8100] =	vst v63  }
0x18: {  	s13 =	simm.s32 $0x3100;
	v3 =	vadd.s32 v11, v3  }
0x19: {  	[tilespmem:s13], [sflag:$0x1] =	stream.indirect_vreg.gather [hbm4b:s7+s3], $0x80, v2, vm0, $0xb8;
	[tilespmem:$0x8100] =	vst v63  }
0x1a: {  	s14 =	simm.s32 $0x3900  }
0x1b: {  	v4 =	vshll.u32 v4, $0x5;
	[tilespmem:s14], [sflag:$0x1] =	stream.indirect_vreg.gather [hbm4b:s9+s3], $0x80, v2, vm0, $0xb8;
	[tilespmem:$0x8100] =	vst v63  }
0x1c: {  	s15 =	simm.s32 $0x4100;
	[tilespmem:$0x80] =	vst v4  }
0x1d: {  	[tilespmem:s15], [sflag:$0x2] =	stream.indirect_vreg.gather [hbm4b:s2+s3], $0x80, v3, vm0, $0xb8;
	[tilespmem:$0x8100] =	vst v63  }
0x1e: {  	s16 =	simm.s32 $0x4900;
	v5 =	vperm.xlane v5, v12  }
0x1f: {  	[tilespmem:s16], [sflag:$0x2] =	stream.indirect_vreg.gather [hbm4b:s5+s3], $0x80, v3, vm0, $0xb8;
	[tilespmem:$0x8100] =	vst v63  }
0x20: {  	s17 =	simm.s32 $0x5100;
	v5 =	vadd.s32 v11, v5  }
0x21: {  	[tilespmem:s17], [sflag:$0x2] =	stream.indirect_vreg.gather [hbm4b:s7+s3], $0x80, v3, vm0, $0xb8;
	[tilespmem:$0x8100] =	vst v63  }
0x22: {  	s18 =	simm.s32 $0x5900  }
0x23: {  	[tilespmem:s18], [sflag:$0x2] =	stream.indirect_vreg.gather [hbm4b:s9+s3], $0x80, v3, vm0, $0xb8;
	[tilespmem:$0x8100] =	vst v63  }
0x24: {  	s19 =	simm.s32 $0x6100;
	s23 =	sshll.u32 s25, $0x7  }
0x25: {  	[tilespmem:s19], [sflag:$0x2] =	stream.indirect_vreg.gather [hbm4b:s2+s3], $0x80, v5, vm0, $0xb8;
	[tilespmem:$0x8100] =	vst v63  }
0x26: {  	s20 =	simm.s32 $0x6900;
	s31 =	sadd.s32 s23, s22  }
0x27: {  	[tilespmem:s20], [sflag:$0x2] =	stream.indirect_vreg.gather [hbm4b:s5+s3], $0x80, v5, vm0, $0xb8;
	[tilespmem:$0x8100] =	vst v63  }
0x28: {  	s21 =	simm.s32 $0x7100;
	s24 =	sor.u32 $0x820, s25;
	s23 =	sadd.s32 $0x1A00, s31  }
0x29: {  	[tilespmem:s21], [sflag:$0x2] =	stream.indirect_vreg.gather [hbm4b:s7+s3], $0x80, v5, vm0, $0xb8;
	[tilespmem:$0x8100] =	vst v63  }
0x2a: {  	s22 =	simm.s32 $0x7900;
	[dreg:$0x3] =	wrdreg s23;
	s23 =	simm.s32 $0x1  }
0x2b: {  	v6 =	vor.u32 s24, v9;
	[tilespmem:s22], [sflag:$0x2] =	stream.indirect_vreg.gather [hbm4b:s9+s3], $0x80, v5, vm0, $0xb8;
	[tilespmem:$0x8100] =	vst v63  }
0x2c: {  	v8 =	vshll.u32 v6, $0x8;
	_ =	swait.ge [sflag:s23], $0x4000  }
0x2d: {  	v7 =	vperm.xlane v8, v10;
	[sflag:s23] =	ssyncset.done $0x0  }
0x2e: {  	s26 =	rddreg [dreg:$0x3];
	[sflag:s23] =	ssyncadd.s32 $0xFFFFC000  }
0x2f: {  	v6 =	vshll.u32 v6, $0x5;
	v7 =	vadd.s32 v11, v7;
	[hbm4b:s26+s3] =	stream.linear.scatter [tilespmem:s4], [sflag:$0x3], $0x4000, $0x38;
	[tilespmem:$0x8100] =	vst v63  }
0x30: {  	s24 =	simm.s32 $0x3;
	[tilespmem:$0x0] =	vst v6  }
0x31: {  	_ =	swait.ge [sflag:s24], $0x4000  }
0x32: {  	[sflag:s24] =	ssyncset.done $0x0  }
0x33: {  	[sflag:s24] =	ssyncadd.s32 $0xFFFFC000  }
0x34: {  	[tilespmem:s4], [sflag:$0x1] =	stream.indirect_vreg.gather [hbm4b:s2+s3], $0x80, v7, vm0, $0xb8;
	[tilespmem:$0x8100] =	vst v63  }
0x35: {  	v8 =	vperm.xlane v8, v12  }
0x36: {  	[tilespmem:s6], [sflag:$0x1] =	stream.indirect_vreg.gather [hbm4b:s5+s3], $0x80, v7, vm0, $0xb8;
	[tilespmem:$0x8100] =	vst v63  }
0x37: {  	v8 =	vadd.s32 v11, v8  }
0x38: {  	[tilespmem:s8], [sflag:$0x1] =	stream.indirect_vreg.gather [hbm4b:s7+s3], $0x80, v7, vm0, $0xb8;
	[tilespmem:$0x8100] =	vst v63  }
0x39: {  	_ = 	snop  }
0x3a: {  	[tilespmem:s10], [sflag:$0x1] =	stream.indirect_vreg.gather [hbm4b:s9+s3], $0x80, v7, vm0, $0xb8;
	[tilespmem:$0x8100] =	vst v63  }
0x3b: {  	_ = 	snop  }
0x3c: {  	[tilespmem:s11], [sflag:$0x1] =	stream.indirect_vreg.gather [hbm4b:s2+s3], $0x80, v8, vm0, $0xb8;
	[tilespmem:$0x8100] =	vst v63  }
0x3d: {  	_ = 	snop  }
0x3e: {  	[tilespmem:s12], [sflag:$0x1] =	stream.indirect_vreg.gather [hbm4b:s5+s3], $0x80, v8, vm0, $0xb8;
	[tilespmem:$0x8100] =	vst v63  }
0x3f: {  	s25 =	sor.u32 $0x830, s25  }
0x40: {  	[tilespmem:s13], [sflag:$0x1] =	stream.indirect_vreg.gather [hbm4b:s7+s3], $0x80, v8, vm0, $0xb8;
	[tilespmem:$0x8100] =	vst v63  }
0x41: {  	v9 =	vor.u32 s25, v9;
	s25 =	simm.s32 $0x2  }
0x42: {  	[tilespmem:s14], [sflag:$0x1] =	stream.indirect_vreg.gather [hbm4b:s9+s3], $0x80, v8, vm0, $0xb8;
	[tilespmem:$0x8100] =	vst v63  }
0x43: {  	v13 =	vshll.u32 v9, $0x8;
	_ =	swait.ge [sflag:s25], $0x4000  }
0x44: {  	v10 =	vperm.xlane v13, v10;
	[sflag:s25] =	ssyncset.done $0x0  }
0x45: {  	s26 =	sadd.s32 $0x2200, s31;
	[sflag:s25] =	ssyncadd.s32 $0xFFFFC000  }
0x46: {  	v9 =	vshll.u32 v9, $0x5;
	v10 =	vadd.s32 v11, v10;
	[hbm4b:s26+s3] =	stream.linear.scatter [tilespmem:s15], [sflag:$0x4], $0x4000, $0x38;
	[tilespmem:$0x8100] =	vst v63  }
0x47: {  	s28 =	simm.s32 $0x4;
	[tilespmem:$0x80] =	vst v9  }
0x48: {  	_ =	swait.ge [sflag:s28], $0x4000  }
0x49: {  	[sflag:s28] =	ssyncset.done $0x0  }
0x4a: {  	[sflag:s28] =	ssyncadd.s32 $0xFFFFC000  }
0x4b: {  	[tilespmem:s15], [sflag:$0x2] =	stream.indirect_vreg.gather [hbm4b:s2+s3], $0x80, v10, vm0, $0xb8;
	[tilespmem:$0x8100] =	vst v63  }
0x4c: {  	v12 =	vperm.xlane v13, v12  }
0x4d: {  	[tilespmem:s16], [sflag:$0x2] =	stream.indirect_vreg.gather [hbm4b:s5+s3], $0x80, v10, vm0, $0xb8;
	[tilespmem:$0x8100] =	vst v63  }
0x4e: {  	v11 =	vadd.s32 v11, v12  }
0x4f: {  	[tilespmem:s17], [sflag:$0x2] =	stream.indirect_vreg.gather [hbm4b:s7+s3], $0x80, v10, vm0, $0xb8;
	[tilespmem:$0x8100] =	vst v63  }
0x50: {  	_ = 	snop  }
0x51: {  	[tilespmem:s18], [sflag:$0x2] =	stream.indirect_vreg.gather [hbm4b:s9+s3], $0x80, v10, vm0, $0xb8;
	[tilespmem:$0x8100] =	vst v63  }
0x52: {  	_ = 	snop  }
0x53: {  	[tilespmem:s19], [sflag:$0x2] =	stream.indirect_vreg.gather [hbm4b:s2+s3], $0x80, v11, vm0, $0xb8;
	[tilespmem:$0x8100] =	vst v63  }
0x54: {  	_ = 	snop  }
0x55: {  	[tilespmem:s20], [sflag:$0x2] =	stream.indirect_vreg.gather [hbm4b:s5+s3], $0x80, v11, vm0, $0xb8;
	[tilespmem:$0x8100] =	vst v63  }
0x56: {  	_ = 	snop  }
0x57: {  	[tilespmem:s21], [sflag:$0x2] =	stream.indirect_vreg.gather [hbm4b:s7+s3], $0x80, v11, vm0, $0xb8;
	[tilespmem:$0x8100] =	vst v63  }
0x58: {  	_ = 	snop  }
0x59: {  	[tilespmem:s22], [sflag:$0x2] =	stream.indirect_vreg.gather [hbm4b:s9+s3], $0x80, v11, vm0, $0xb8;
	[tilespmem:$0x8100] =	vst v63  }
0x5a: {  	_ =	swait.ge [sflag:s23], $0x4000  }
0x5b: {  	s1 =	ssub.s32 $0x2, s30;
	s29 =	sadd.s32 $0x2A00, s31;
	[sflag:s23] =	ssyncset.done $0x0  }
0x5c: {  	s30 =	sadd.s32 $0x3200, s31;
	s31 =	sshrl.u32 s1, $0x1;
	[sflag:s23] =	ssyncadd.s32 $0xFFFFC000  }
0x5d: {  	[hbm4b:s29+s3] =	stream.linear.scatter [tilespmem:s4], [sflag:$0x3], $0x4000, $0x38;
	[tilespmem:$0x8100] =	vst v63  }
0x5e: {  	s1 =	ssub.s32 s1, s31;
	_ =	swait.ge [sflag:s25], $0x4000  }
0x5f: {  	s1 =	smax.u32 s1, $0x1;
	[sflag:s25] =	ssyncset.done $0x0  }
0x60: {  	p0 =	sne.s32 s1, $0x1;
	[sflag:s25] =	ssyncadd.s32 $0xFFFFC000  }
0x61: {  	[hbm4b:s30+s3] =	stream.linear.scatter [tilespmem:s15], [sflag:$0x4], $0x4000, $0x38;
	[tilespmem:$0x8100] =	vst v63  }
.Ltmp0:
0x62: {  	_ =	swait.ge [sflag:s24], $0x4000;
	(pc) =	sbr.rel @!p0 .LBB2_2-.Ltmp0, $4  }
0x63: {  	[sflag:s24] =	ssyncset.done $0x0  }
0x64: {  	[sflag:s24] =	ssyncadd.s32 $0xFFFFC000  }
0x65: {  	_ =	swait.ge [sflag:s28], $0x4000  }
0x66: {  	s31 =	sadd.s32 $0xFFFFFFFF, s1;
	[sflag:s28] =	ssyncset.done $0x0  }
.LBB2_1:
0x67: {  	[sflag:s28] =	ssyncadd.s32 $0xFFFFC000  }
0x68: {  	[tilespmem:$0x0] =	vst v1  }
0x69: {  	[tilespmem:s4], [sflag:$0x1] =	stream.indirect_vreg.gather [hbm4b:s2+s3], $0x80, v0, vm0, $0xb8;
	[tilespmem:$0x8100] =	vst v63  }
0x6a: {  	_ = 	snop  }
0x6b: {  	[tilespmem:s6], [sflag:$0x1] =	stream.indirect_vreg.gather [hbm4b:s5+s3], $0x80, v0, vm0, $0xb8;
	[tilespmem:$0x8100] =	vst v63  }
0x6c: {  	_ = 	snop  }
0x6d: {  	[tilespmem:s8], [sflag:$0x1] =	stream.indirect_vreg.gather [hbm4b:s7+s3], $0x80, v0, vm0, $0xb8;
	[tilespmem:$0x8100] =	vst v63  }
0x6e: {  	_ = 	snop  }
0x6f: {  	[tilespmem:s10], [sflag:$0x1] =	stream.indirect_vreg.gather [hbm4b:s9+s3], $0x80, v0, vm0, $0xb8;
	[tilespmem:$0x8100] =	vst v63  }
0x70: {  	_ = 	snop  }
0x71: {  	[tilespmem:s11], [sflag:$0x1] =	stream.indirect_vreg.gather [hbm4b:s2+s3], $0x80, v2, vm0, $0xb8;
	[tilespmem:$0x8100] =	vst v63  }
0x72: {  	_ = 	snop  }
0x73: {  	[tilespmem:s12], [sflag:$0x1] =	stream.indirect_vreg.gather [hbm4b:s5+s3], $0x80, v2, vm0, $0xb8;
	[tilespmem:$0x8100] =	vst v63  }
0x74: {  	_ = 	snop  }
0x75: {  	[tilespmem:s13], [sflag:$0x1] =	stream.indirect_vreg.gather [hbm4b:s7+s3], $0x80, v2, vm0, $0xb8;
	[tilespmem:$0x8100] =	vst v63  }
0x76: {  	_ = 	snop  }
0x77: {  	[tilespmem:s14], [sflag:$0x1] =	stream.indirect_vreg.gather [hbm4b:s9+s3], $0x80, v2, vm0, $0xb8;
	[tilespmem:$0x8100] =	vst v63  }
0x78: {  	[tilespmem:$0x80] =	vst v4  }
0x79: {  	[tilespmem:s15], [sflag:$0x2] =	stream.indirect_vreg.gather [hbm4b:s2+s3], $0x80, v3, vm0, $0xb8;
	[tilespmem:$0x8100] =	vst v63  }
0x7a: {  	_ = 	snop  }
0x7b: {  	[tilespmem:s16], [sflag:$0x2] =	stream.indirect_vreg.gather [hbm4b:s5+s3], $0x80, v3, vm0, $0xb8;
	[tilespmem:$0x8100] =	vst v63  }
0x7c: {  	_ = 	snop  }
0x7d: {  	[tilespmem:s17], [sflag:$0x2] =	stream.indirect_vreg.gather [hbm4b:s7+s3], $0x80, v3, vm0, $0xb8;
	[tilespmem:$0x8100] =	vst v63  }
0x7e: {  	_ = 	snop  }
0x7f: {  	[tilespmem:s18], [sflag:$0x2] =	stream.indirect_vreg.gather [hbm4b:s9+s3], $0x80, v3, vm0, $0xb8;
	[tilespmem:$0x8100] =	vst v63  }
0x80: {  	_ = 	snop  }
0x81: {  	[tilespmem:s19], [sflag:$0x2] =	stream.indirect_vreg.gather [hbm4b:s2+s3], $0x80, v5, vm0, $0xb8;
	[tilespmem:$0x8100] =	vst v63  }
0x82: {  	_ = 	snop  }
0x83: {  	[tilespmem:s20], [sflag:$0x2] =	stream.indirect_vreg.gather [hbm4b:s5+s3], $0x80, v5, vm0, $0xb8;
	[tilespmem:$0x8100] =	vst v63  }
0x84: {  	_ = 	snop  }
0x85: {  	[tilespmem:s21], [sflag:$0x2] =	stream.indirect_vreg.gather [hbm4b:s7+s3], $0x80, v5, vm0, $0xb8;
	[tilespmem:$0x8100] =	vst v63  }
0x86: {  	_ = 	snop  }
0x87: {  	[tilespmem:s22], [sflag:$0x2] =	stream.indirect_vreg.gather [hbm4b:s9+s3], $0x80, v5, vm0, $0xb8;
	[tilespmem:$0x8100] =	vst v63  }
0x88: {  	_ =	swait.ge [sflag:s23], $0x4000  }
0x89: {  	[sflag:s23] =	ssyncset.done $0x0  }
0x8a: {  	s1 =	rddreg [dreg:$0x3];
	[sflag:s23] =	ssyncadd.s32 $0xFFFFC000  }
0x8b: {  	[hbm4b:s1+s3] =	stream.linear.scatter [tilespmem:s4], [sflag:$0x3], $0x4000, $0x38;
	[tilespmem:$0x8100] =	vst v63  }
0x8c: {  	[tilespmem:$0x0] =	vst v6  }
0x8d: {  	_ =	swait.ge [sflag:s24], $0x4000  }
0x8e: {  	[sflag:s24] =	ssyncset.done $0x0  }
0x8f: {  	[sflag:s24] =	ssyncadd.s32 $0xFFFFC000  }
0x90: {  	[tilespmem:s4], [sflag:$0x1] =	stream.indirect_vreg.gather [hbm4b:s2+s3], $0x80, v7, vm0, $0xb8;
	[tilespmem:$0x8100] =	vst v63  }
0x91: {  	_ = 	snop  }
0x92: {  	[tilespmem:s6], [sflag:$0x1] =	stream.indirect_vreg.gather [hbm4b:s5+s3], $0x80, v7, vm0, $0xb8;
	[tilespmem:$0x8100] =	vst v63  }
0x93: {  	_ = 	snop  }
0x94: {  	[tilespmem:s8], [sflag:$0x1] =	stream.indirect_vreg.gather [hbm4b:s7+s3], $0x80, v7, vm0, $0xb8;
	[tilespmem:$0x8100] =	vst v63  }
0x95: {  	_ = 	snop  }
0x96: {  	[tilespmem:s10], [sflag:$0x1] =	stream.indirect_vreg.gather [hbm4b:s9+s3], $0x80, v7, vm0, $0xb8;
	[tilespmem:$0x8100] =	vst v63  }
0x97: {  	_ = 	snop  }
0x98: {  	[tilespmem:s11], [sflag:$0x1] =	stream.indirect_vreg.gather [hbm4b:s2+s3], $0x80, v8, vm0, $0xb8;
	[tilespmem:$0x8100] =	vst v63  }
0x99: {  	_ = 	snop  }
0x9a: {  	[tilespmem:s12], [sflag:$0x1] =	stream.indirect_vreg.gather [hbm4b:s5+s3], $0x80, v8, vm0, $0xb8;
	[tilespmem:$0x8100] =	vst v63  }
0x9b: {  	_ = 	snop  }
0x9c: {  	[tilespmem:s13], [sflag:$0x1] =	stream.indirect_vreg.gather [hbm4b:s7+s3], $0x80, v8, vm0, $0xb8;
	[tilespmem:$0x8100] =	vst v63  }
0x9d: {  	_ = 	snop  }
0x9e: {  	[tilespmem:s14], [sflag:$0x1] =	stream.indirect_vreg.gather [hbm4b:s9+s3], $0x80, v8, vm0, $0xb8;
	[tilespmem:$0x8100] =	vst v63  }
0x9f: {  	_ =	swait.ge [sflag:s25], $0x4000  }
0xa0: {  	[sflag:s25] =	ssyncset.done $0x0  }
0xa1: {  	[sflag:s25] =	ssyncadd.s32 $0xFFFFC000  }
0xa2: {  	[hbm4b:s26+s3] =	stream.linear.scatter [tilespmem:s15], [sflag:$0x4], $0x4000, $0x38;
	[tilespmem:$0x8100] =	vst v63  }
0xa3: {  	[tilespmem:$0x80] =	vst v9  }
0xa4: {  	_ =	swait.ge [sflag:s28], $0x4000  }
0xa5: {  	[sflag:s28] =	ssyncset.done $0x0  }
0xa6: {  	[sflag:s28] =	ssyncadd.s32 $0xFFFFC000  }
0xa7: {  	[tilespmem:s15], [sflag:$0x2] =	stream.indirect_vreg.gather [hbm4b:s2+s3], $0x80, v10, vm0, $0xb8;
	[tilespmem:$0x8100] =	vst v63  }
0xa8: {  	_ = 	snop  }
0xa9: {  	[tilespmem:s16], [sflag:$0x2] =	stream.indirect_vreg.gather [hbm4b:s5+s3], $0x80, v10, vm0, $0xb8;
	[tilespmem:$0x8100] =	vst v63  }
0xaa: {  	_ = 	snop  }
0xab: {  	[tilespmem:s17], [sflag:$0x2] =	stream.indirect_vreg.gather [hbm4b:s7+s3], $0x80, v10, vm0, $0xb8;
	[tilespmem:$0x8100] =	vst v63  }
0xac: {  	_ = 	snop  }
0xad: {  	[tilespmem:s18], [sflag:$0x2] =	stream.indirect_vreg.gather [hbm4b:s9+s3], $0x80, v10, vm0, $0xb8;
	[tilespmem:$0x8100] =	vst v63  }
0xae: {  	_ = 	snop  }
0xaf: {  	[tilespmem:s19], [sflag:$0x2] =	stream.indirect_vreg.gather [hbm4b:s2+s3], $0x80, v11, vm0, $0xb8;
	[tilespmem:$0x8100] =	vst v63  }
0xb0: {  	_ = 	snop  }
0xb1: {  	[tilespmem:s20], [sflag:$0x2] =	stream.indirect_vreg.gather [hbm4b:s5+s3], $0x80, v11, vm0, $0xb8;
	[tilespmem:$0x8100] =	vst v63  }
0xb2: {  	_ = 	snop  }
0xb3: {  	[tilespmem:s21], [sflag:$0x2] =	stream.indirect_vreg.gather [hbm4b:s7+s3], $0x80, v11, vm0, $0xb8;
	[tilespmem:$0x8100] =	vst v63  }
0xb4: {  	_ = 	snop  }
0xb5: {  	[tilespmem:s22], [sflag:$0x2] =	stream.indirect_vreg.gather [hbm4b:s9+s3], $0x80, v11, vm0, $0xb8;
	[tilespmem:$0x8100] =	vst v63  }
0xb6: {  	_ =	swait.ge [sflag:s23], $0x4000  }
0xb7: {  	[sflag:s23] =	ssyncset.done $0x0  }
0xb8: {  	[sflag:s23] =	ssyncadd.s32 $0xFFFFC000  }
0xb9: {  	[hbm4b:s29+s3] =	stream.linear.scatter [tilespmem:s4], [sflag:$0x3], $0x4000, $0x38;
	[tilespmem:$0x8100] =	vst v63  }
0xba: {  	_ =	swait.ge [sflag:s25], $0x4000  }
0xbb: {  	[sflag:s25] =	ssyncset.done $0x0  }
0xbc: {  	p0 =	sne.s32 s31, $0x1;
	[sflag:s25] =	ssyncadd.s32 $0xFFFFC000  }
0xbd: {  	[hbm4b:s30+s3] =	stream.linear.scatter [tilespmem:s15], [sflag:$0x4], $0x4000, $0x38;
	[tilespmem:$0x8100] =	vst v63  }
.Ltmp1:
0xbe: {  	_ =	swait.ge [sflag:s24], $0x4000;
	(pc) =	sbr.rel @p0 .LBB2_1-.Ltmp1, $4  }
0xbf: {  	[sflag:s24] =	ssyncset.done $0x0  }
0xc0: {  	[sflag:s24] =	ssyncadd.s32 $0xFFFFC000  }
0xc1: {  	_ =	swait.ge [sflag:s28], $0x4000  }
0xc2: {  	s31 =	sadd.s32 $0xFFFFFFFF, s31;
	[sflag:s28] =	ssyncset.done $0x0  }
.LBB2_2:
0xc3: {  	[sflag:s28] =	ssyncadd.s32 $0xFFFFC000  }
0xc4: {  	_ =	sfence.sel $0x180000  }
0xc5: {  	[bflag:$0x0] =	sbarrier.arrive $0xFFFF  }
0xc6: {  	_ =	strace $0x90000047  }
0xc7: {  	[bflag:$0x2] =	sbarrier.arrive $0xFFFF  }
0xc8: {  	p0 =	sne.s32 s0, $0x0;
	s0 =	rddreg [dreg:$0x2]  }
0xc9: {  	s0 =	sadd.s32 @!p0 $0x100000, s0  }
0xca: {  	[sflag:s0] =	ssyncadd.tile.s32 @!p0 $0x1;
	_ =	shalt  }
.Lfunc_end2:
_tile_overlayer_lowered:
.L_overlay_start_2:
0xcb: {  	(tag) =	ssettag $0x2  }
0xcc: {  	s0 =	rddreg [dreg:$0x0];
	s2 =	stileid.u32  }
0xcd: {  	s1 =	rddreg [dreg:$0x1];
	p0 =	sne.s32 s2, $0x0  }
0xce: {  	s3 =	rddreg [dreg:$0x2];
	[bflag:$0x3] =	sbarrier.arrive $0xFFFF;
	s2 =	simm.s32 @!p0 $0x1C05  }
0xcf: {  	[timem:s3], [sflag:s2] =	dma.local @!p0 [hbm:s0], s1  }
0xd0: {  	s0 =	simm.s32 @!p0 $0x5  }
0xd1: {  	_ =	swait.ge @!p0 [sflag:s0], s1  }
0xd2: {  	s1 =	ssub.s32 @!p0 $0x0, s1;
	[sflag:s0] =	ssyncset.done @!p0 $0x0  }
0xd3: {  	[sflag:s0] =	ssyncadd.s32 @!p0 s1  }
0xd4: {  	[bflag:$0x3] =	sbarrier.arrive $0xFFFF  }
0xd5: {  	_ =	shalt  }

</sc_bundles>
